<compile_context>
chip_gen: v7x
topology: tpu7x:2x2x1
jax: 0.10.2.dev20260603
libtpu: 0.0.44.dev20260713+nightly
codegen_flags: <defaults>
</compile_context>

<pallas_src>
import functools

import jax
import jax.numpy as jnp
from jax import lax
from jax.experimental import pallas as pl
from jax.experimental.pallas import tpu as pltpu
from jax.experimental.pallas import tpu_sc as plsc

NC = 2
NS = 16
NW = NC * NS
LANES = 16

CHUNK = 128
NBUF = 4
DIST = 2


def _embed_kernel(n_chunks, maxlen, d, x_hbm, tok_hbm, pos2_hbm, out_hbm,
                  idx_v, pos_v, rows_v, sems_g, sems_o):
    wid = lax.axis_index("s") * NC + lax.axis_index("c")
    base = wid * n_chunks
    d_half = d // LANES

    pltpu.sync_copy(x_hbm.at[wid], idx_v)
    pltpu.sync_copy(pos2_hbm, pos_v)

    def fire_gather(c, b):
        pltpu.async_copy(tok_hbm.at[idx_v.at[c]], rows_v.at[b], sems_g[b])

    def wait_gather(b):
        pltpu.make_async_copy(tok_hbm.at[idx_v.at[0]], rows_v.at[b],
                              sems_g[b]).wait()

    def fire_out(c, b):
        pltpu.async_copy(rows_v.at[b], out_hbm.at[pl.ds((base + c) * CHUNK,
                                                        CHUNK)], sems_o[b])

    def wait_out(b):
        pltpu.make_async_copy(rows_v.at[b], out_hbm.at[pl.ds(0, CHUNK)],
                              sems_o[b]).wait()

    for c in range(DIST):
        fire_gather(c, c)

    @pl.loop(0, n_chunks, step=NBUF)
    def _group(c0):
        for b in range(NBUF):
            c = c0 + b
            wait_gather(b)

            start_pos = lax.rem(c * CHUNK, maxlen)

            @pl.loop(0, CHUNK, unroll=8)
            def _row(r):
                p = start_pos + r
                for h in range(d_half):
                    plsc.addupdate(rows_v.at[b, r, pl.ds(h * LANES, LANES)],
                                   pos_v[p, pl.ds(h * LANES, LANES)])

            fire_out(c, b)

            bg = (b + DIST) % NBUF

            @pl.when(c + DIST < n_chunks)
            def _():
                @pl.when(c >= NBUF - DIST)
                def _():
                    wait_out(bg)
                fire_gather(c + DIST, bg)

    for b in range(NBUF):
        wait_out(b)


def kernel(x, tok_table, pos_table):
    batch, maxlen = x.shape
    vocab, d = tok_table.shape
    n_flat = batch * maxlen
    per_w = n_flat // NW
    n_chunks = per_w // CHUNK

    x_split = x.reshape(NW, n_chunks, CHUNK).astype(jnp.int32)
    pos2 = jnp.concatenate([pos_table, pos_table], axis=0)

    mesh = plsc.VectorSubcoreMesh(core_axis_name="c", subcore_axis_name="s")
    run = pl.kernel(
        functools.partial(_embed_kernel, n_chunks, maxlen, d),
        out_type=jax.ShapeDtypeStruct((n_flat, d), jnp.float32),
        mesh=mesh,
        scratch_types=[
            pltpu.VMEM((n_chunks, CHUNK), jnp.int32),
            pltpu.VMEM((2 * maxlen, d), jnp.float32),
            pltpu.VMEM((NBUF, CHUNK, d), jnp.float32),
            [pltpu.SemaphoreType.DMA] * NBUF,
            [pltpu.SemaphoreType.DMA] * NBUF,
        ],
        compiler_params=pltpu.CompilerParams(use_tc_tiling_on_sc=False),
    )
    out = run(x_split, tok_table, pos2)
    return out.reshape(batch, maxlen, d)

# --- scband reference (transcript-rebuilt; emitter-appended) ---
"""Pipeline reference for scband-token-and-position-embedding-74002286510576 (READ-ONLY COPY).

The authoritative reference and input builder live on the scoring server;
editing this copy changes nothing except your own understanding.
"""

import jax, jax.numpy as jnp
import numpy as np

VOCAB = 1000000
MAXLEN = 200
EMBED_DIM = 32
BATCH = 4096

def setup_inputs(seed: int = 0) -> dict:
    key = jax.random.key(seed)
    k1, k2, k3 = jax.random.split(key, 3)
    x = jax.random.randint(k1, (BATCH, MAXLEN), 0, VOCAB, dtype=jnp.int64) if jax.config.jax_enable_x64 else jax.random.randint(k1, (BATCH, MAXLEN), 0, VOCAB, dtype=jnp.int32)
    tok_table = jax.random.normal(k2, (VOCAB, EMBED_DIM), dtype=jnp.float32) * 0.05
    pos_table = jax.random.normal(k3, (MAXLEN, EMBED_DIM), dtype=jnp.float32) * 0.05
    return {"x": x, "tok_table": tok_table, "pos_table": pos_table}

def reference(x, tok_table, pos_table):
    # positions = range(maxlen); pos_emb lookup
    maxlen = x.shape[-1]
    positions = jnp.arange(maxlen)
    pos = jnp.take(pos_table, positions, axis=0)          # [maxlen, embed_dim]
    tok = jnp.take(tok_table, x, axis=0)                  # [B, maxlen, embed_dim]
    return tok + pos[None, :, :]

if __name__ == "__main__":
    import jax
    _d = setup_inputs()
    print(jax.jit(kernel)(*tuple(_d.values())))

</pallas_src>

<mosaic_0001>
#map = affine_map<(d0, d1) -> (0, 0, 0)>
#map1 = affine_map<(d0, d1) -> (0, 0)>
module attributes {stable_mosaic.version = 14 : i64} {
  func.func @_embed_kernel(%arg0: i32, %arg1: i32, %arg2: memref<32x200x128xi32, #tpu.memory_space<hbm>>, %arg3: memref<1000000x32xf32, #tpu.memory_space<hbm>>, %arg4: memref<400x32xf32, #tpu.memory_space<hbm>>, %arg5: memref<819200x32xf32, #tpu.memory_space<hbm>>, %arg6: memref<200x128xi32, #tpu.memory_space<vmem>>, %arg7: memref<400x32xf32, #tpu.memory_space<vmem>>, %arg8: memref<4x128x32xf32, #tpu.memory_space<vmem>>, %arg9: memref<!tpu.dma_semaphore, #tpu.memory_space<semaphore_mem>>, %arg10: memref<!tpu.dma_semaphore, #tpu.memory_space<semaphore_mem>>, %arg11: memref<!tpu.dma_semaphore, #tpu.memory_space<semaphore_mem>>, %arg12: memref<!tpu.dma_semaphore, #tpu.memory_space<semaphore_mem>>, %arg13: memref<!tpu.dma_semaphore, #tpu.memory_space<semaphore_mem>>, %arg14: memref<!tpu.dma_semaphore, #tpu.memory_space<semaphore_mem>>, %arg15: memref<!tpu.dma_semaphore, #tpu.memory_space<semaphore_mem>>, %arg16: memref<!tpu.dma_semaphore, #tpu.memory_space<semaphore_mem>>) attributes {dimension_semantics = [#tpu.dimension_semantics<core_parallel>, #tpu.dimension_semantics<subcore_parallel>], iteration_bounds = array<i64: 2, 16>, scalar_prefetch = 0 : i64, scratch_operands = 11 : i64, tpu.core_type = #tpu.core_type<sc_vector_subcore>, window_params = [{transform_indices = #map}, {transform_indices = #map1}, {transform_indices = #map1}, {transform_indices = #map1}]} {
    %mul3A = arith.constant 2 : i32
    %mul3A_0 = arith.muli %arg1, %mul3A : i32
    %add3A = arith.addi %mul3A_0, %arg0 : i32
    %mul3A_1 = arith.constant 200 : i32
    %mul3A_2 = arith.muli %add3A, %mul3A_1 : i32
    "tpu.region"() ({
      %run_scoped3A = tpu.sem_alloc : memref<!tpu.dma_semaphore, #tpu.memory_space<semaphore_mem>>
      %dma_start3A_89 = arith.constant 0 : i32
      %dma_start3A_90 = arith.constant 0 : i32
      %dma_start3A_91 = tpu.memref_slice %arg2[%add3A, %dma_start3A_89, %dma_start3A_90] : memref<32x200x128xi32, #tpu.memory_space<hbm>> -> memref<1x200x128xi32, #tpu.memory_space<hbm>>
      %dma_start3A_92 = tpu.memref_squeeze %dma_start3A_91 : memref<1x200x128xi32, #tpu.memory_space<hbm>> -> memref<200x128xi32, #tpu.memory_space<hbm>>
      %dma_start3A_93 = arith.constant 0 : i32
      %dma_start3A_94 = arith.constant 0 : i32
      %dma_start3A_95 = tpu.memref_slice %arg2[%add3A, %dma_start3A_93, %dma_start3A_94] : memref<32x200x128xi32, #tpu.memory_space<hbm>> -> memref<1x200x128xi32, #tpu.memory_space<hbm>>
      %dma_start3A_96 = tpu.memref_squeeze %dma_start3A_95 : memref<1x200x128xi32, #tpu.memory_space<hbm>> -> memref<200x128xi32, #tpu.memory_space<hbm>>
      tpu.enqueue_dma source(%dma_start3A_96 : memref<200x128xi32, #tpu.memory_space<hbm>>) target(%arg6 : memref<200x128xi32, #tpu.memory_space<vmem>>) target_semaphore(%run_scoped3A : memref<!tpu.dma_semaphore, #tpu.memory_space<semaphore_mem>>)
      %dma_wait3A_97 = arith.constant 0 : i32
      %dma_wait3A_98 = arith.constant 0 : i32
      %dma_wait3A_99 = tpu.memref_slice %arg2[%add3A, %dma_wait3A_97, %dma_wait3A_98] : memref<32x200x128xi32, #tpu.memory_space<hbm>> -> memref<1x200x128xi32, #tpu.memory_space<hbm>>
      %dma_wait3A_100 = tpu.memref_squeeze %dma_wait3A_99 : memref<1x200x128xi32, #tpu.memory_space<hbm>> -> memref<200x128xi32, #tpu.memory_space<hbm>>
      %dma_wait3A_101 = arith.constant 0 : i32
      %dma_wait3A_102 = arith.constant 0 : i32
      %dma_wait3A_103 = tpu.memref_slice %arg2[%add3A, %dma_wait3A_101, %dma_wait3A_102] : memref<32x200x128xi32, #tpu.memory_space<hbm>> -> memref<1x200x128xi32, #tpu.memory_space<hbm>>
      %dma_wait3A_104 = tpu.memref_squeeze %dma_wait3A_103 : memref<1x200x128xi32, #tpu.memory_space<hbm>> -> memref<200x128xi32, #tpu.memory_space<hbm>>
      tpu.wait_dma2 semaphore(%run_scoped3A : memref<!tpu.dma_semaphore, #tpu.memory_space<semaphore_mem>>) src(%dma_wait3A_104 : memref<200x128xi32, #tpu.memory_space<hbm>>) dst(%arg6 : memref<200x128xi32, #tpu.memory_space<vmem>>)
      tpu.yield
    }) : () -> ()
    "tpu.region"() ({
      %run_scoped3A = tpu.sem_alloc : memref<!tpu.dma_semaphore, #tpu.memory_space<semaphore_mem>>
      tpu.enqueue_dma source(%arg4 : memref<400x32xf32, #tpu.memory_space<hbm>>) target(%arg7 : memref<400x32xf32, #tpu.memory_space<vmem>>) target_semaphore(%run_scoped3A : memref<!tpu.dma_semaphore, #tpu.memory_space<semaphore_mem>>)
      tpu.wait_dma2 semaphore(%run_scoped3A : memref<!tpu.dma_semaphore, #tpu.memory_space<semaphore_mem>>) src(%arg4 : memref<400x32xf32, #tpu.memory_space<hbm>>) dst(%arg7 : memref<400x32xf32, #tpu.memory_space<vmem>>)
      tpu.yield
    }) : () -> ()
    %dma_start3A = arith.constant 0 : i32
    %dma_start3A_3 = arith.constant 0 : i32
    %dma_start3A_4 = arith.constant 0 : i32
    %dma_start3A_5 = arith.constant 0 : i32
    %dma_start3A_6 = tpu.memref_slice %arg8[%dma_start3A_3, %dma_start3A_4, %dma_start3A_5] : memref<4x128x32xf32, #tpu.memory_space<vmem>> -> memref<1x128x32xf32, #tpu.memory_space<vmem>>
    %dma_start3A_7 = tpu.memref_squeeze %dma_start3A_6 : memref<1x128x32xf32, #tpu.memory_space<vmem>> -> memref<128x32xf32, #tpu.memory_space<vmem>>
    %dma_start3A_8 = arith.constant 0 : i32
    %dma_start3A_9 = tpu.memref_slice %arg6[%dma_start3A, %dma_start3A_8] : memref<200x128xi32, #tpu.memory_space<vmem>> -> memref<1x128xi32, #tpu.memory_space<vmem>>
    %dma_start3A_10 = tpu.memref_squeeze %dma_start3A_9 : memref<1x128xi32, #tpu.memory_space<vmem>> -> memref<128xi32, #tpu.memory_space<vmem>>
    %dma_start3A_11 = arith.constant 0 : i32
    %dma_start3A_12 = arith.constant 0 : i32
    %dma_start3A_13 = tpu.memref_slice %arg3[%dma_start3A_11, %dma_start3A_12] : memref<1000000x32xf32, #tpu.memory_space<hbm>> -> memref<1000000x32xf32, #tpu.memory_space<hbm>>
    tpu.enqueue_indirect_dma source(%dma_start3A_13 : memref<1000000x32xf32, #tpu.memory_space<hbm>>) target(%dma_start3A_7 : memref<128x32xf32, #tpu.memory_space<vmem>>) offsets(%dma_start3A_10 : memref<128xi32, #tpu.memory_space<vmem>>) semaphore(%arg9 : memref<!tpu.dma_semaphore, #tpu.memory_space<semaphore_mem>>)
    %dma_start3A_14 = arith.constant 1 : i32
    %dma_start3A_15 = arith.constant 1 : i32
    %dma_start3A_16 = arith.constant 0 : i32
    %dma_start3A_17 = arith.constant 0 : i32
    %dma_start3A_18 = tpu.memref_slice %arg8[%dma_start3A_15, %dma_start3A_16, %dma_start3A_17] : memref<4x128x32xf32, #tpu.memory_space<vmem>> -> memref<1x128x32xf32, #tpu.memory_space<vmem>>
    %dma_start3A_19 = tpu.memref_squeeze %dma_start3A_18 : memref<1x128x32xf32, #tpu.memory_space<vmem>> -> memref<128x32xf32, #tpu.memory_space<vmem>>
    %dma_start3A_20 = arith.constant 0 : i32
    %dma_start3A_21 = tpu.memref_slice %arg6[%dma_start3A_14, %dma_start3A_20] : memref<200x128xi32, #tpu.memory_space<vmem>> -> memref<1x128xi32, #tpu.memory_space<vmem>>
    %dma_start3A_22 = tpu.memref_squeeze %dma_start3A_21 : memref<1x128xi32, #tpu.memory_space<vmem>> -> memref<128xi32, #tpu.memory_space<vmem>>
    %dma_start3A_23 = arith.constant 0 : i32
    %dma_start3A_24 = arith.constant 0 : i32
    %dma_start3A_25 = tpu.memref_slice %arg3[%dma_start3A_23, %dma_start3A_24] : memref<1000000x32xf32, #tpu.memory_space<hbm>> -> memref<1000000x32xf32, #tpu.memory_space<hbm>>
    tpu.enqueue_indirect_dma source(%dma_start3A_25 : memref<1000000x32xf32, #tpu.memory_space<hbm>>) target(%dma_start3A_19 : memref<128x32xf32, #tpu.memory_space<vmem>>) offsets(%dma_start3A_22 : memref<128xi32, #tpu.memory_space<vmem>>) semaphore(%arg10 : memref<!tpu.dma_semaphore, #tpu.memory_space<semaphore_mem>>)
    %scan3A = arith.constant 0 : i32
    %scan3A_26 = arith.constant 50 : i32
    %scan3A_27 = arith.addi %scan3A, %scan3A_26 : i32
    %scan3A_28 = arith.constant 1 : i32
    scf.for %scan3A_89 = %scan3A to %scan3A_27 step %scan3A_28  : i32 {
      %mul3A_90 = arith.constant 4 : i32
      %mul3A_91 = arith.muli %scan3A_89, %mul3A_90 : i32
      %add3A_92 = arith.constant 0 : i32
      %add3A_93 = arith.addi %add3A_92, %mul3A_91 : i32
      %add3A_94 = arith.constant 0 : i32
      %add3A_95 = arith.addi %add3A_93, %add3A_94 : i32
      %dma_wait3A_96 = arith.constant 0 : i32
      %dma_wait3A_97 = arith.constant 0 : i32
      %dma_wait3A_98 = arith.constant 0 : i32
      %dma_wait3A_99 = arith.constant 0 : i32
      %dma_wait3A_100 = tpu.memref_slice %arg8[%dma_wait3A_97, %dma_wait3A_98, %dma_wait3A_99] : memref<4x128x32xf32, #tpu.memory_space<vmem>> -> memref<1x128x32xf32, #tpu.memory_space<vmem>>
      %dma_wait3A_101 = tpu.memref_squeeze %dma_wait3A_100 : memref<1x128x32xf32, #tpu.memory_space<vmem>> -> memref<128x32xf32, #tpu.memory_space<vmem>>
      %dma_wait3A_102 = arith.constant 0 : i32
      %dma_wait3A_103 = tpu.memref_slice %arg6[%dma_wait3A_96, %dma_wait3A_102] : memref<200x128xi32, #tpu.memory_space<vmem>> -> memref<1x128xi32, #tpu.memory_space<vmem>>
      %dma_wait3A_104 = tpu.memref_squeeze %dma_wait3A_103 : memref<1x128xi32, #tpu.memory_space<vmem>> -> memref<128xi32, #tpu.memory_space<vmem>>
      %dma_wait3A_105 = arith.constant 0 : i32
      %dma_wait3A_106 = arith.constant 0 : i32
      %dma_wait3A_107 = tpu.memref_slice %arg3[%dma_wait3A_105, %dma_wait3A_106] : memref<1000000x32xf32, #tpu.memory_space<hbm>> -> memref<1000000x32xf32, #tpu.memory_space<hbm>>
      tpu.wait_indirect_dma semaphore(%arg9 : memref<!tpu.dma_semaphore, #tpu.memory_space<semaphore_mem>>) src(%dma_wait3A_107 : memref<1000000x32xf32, #tpu.memory_space<hbm>>) dst(%dma_wait3A_101 : memref<128x32xf32, #tpu.memory_space<vmem>>)
      %mul3A_108 = arith.constant 128 : i32
      %mul3A_109 = arith.muli %add3A_95, %mul3A_108 : i32
      %rem3A = arith.constant 200 : i32
      %rem3A_110 = arith.remsi %mul3A_109, %rem3A : i32
      %scan3A_111 = arith.constant 0 : i32
      %scan3A_112 = arith.constant 128 : i32
      %scan3A_113 = arith.addi %scan3A_111, %scan3A_112 : i32
      %scan3A_114 = arith.constant 8 : i32
      scf.for %scan3A_274 = %scan3A_111 to %scan3A_113 step %scan3A_114  : i32 {
        %mul3A_275 = arith.constant 1 : i32
        %mul3A_276 = arith.muli %scan3A_274, %mul3A_275 : i32
        %add3A_277 = arith.constant 0 : i32
        %add3A_278 = arith.addi %add3A_277, %mul3A_276 : i32
        %add3A_279 = arith.addi %rem3A_110, %add3A_278 : i32
        %get3A = arith.index_cast %add3A_279 : i32 to index
        %get3A_280 = arith.constant 0 : index
        %get3A_281 = tpu.vector_load %arg7[%get3A, %get3A_280] {strides = array<i32>} : memref<400x32xf32, #tpu.memory_space<vmem>>, vector<1x16xf32>,
        %get3A_282 = vector.shape_cast %get3A_281 : vector<1x16xf32> to vector<16xf32>
        %swap3A = arith.constant 0 : i32
        %swap3A_283 = arith.index_cast %swap3A : i32 to index
        %swap3A_284 = arith.index_cast %add3A_278 : i32 to index
        %swap3A_285 = arith.constant 0 : index
        %swap3A_286 = tpu.vector_load %arg8[%swap3A_283, %swap3A_284, %swap3A_285] {strides = array<i32>} : memref<4x128x32xf32, #tpu.memory_space<vmem>>, vector<1x1x16xf32>,
        %swap3A_287 = vector.shape_cast %swap3A_286 : vector<1x1x16xf32> to vector<16xf32>
        %swap3A_288 = vector.shape_cast %get3A_282 : vector<16xf32> to vector<1x1x16xf32>
        tpu.vector_store %arg8[%swap3A_283, %swap3A_284, %swap3A_285], %swap3A_288 {add = true, strides = array<i32>} : memref<4x128x32xf32, #tpu.memory_space<vmem>>, vector<1x1x16xf32>,
        %get3A_289 = arith.index_cast %add3A_279 : i32 to index
        %get3A_290 = arith.constant 16 : index
        %get3A_291 = tpu.vector_load %arg7[%get3A_289, %get3A_290] {strides = array<i32>} : memref<400x32xf32, #tpu.memory_space<vmem>>, vector<1x16xf32>,
        %get3A_292 = vector.shape_cast %get3A_291 : vector<1x16xf32> to vector<16xf32>
        %swap3A_293 = arith.constant 0 : i32
        %swap3A_294 = arith.index_cast %swap3A_293 : i32 to index
        %swap3A_295 = arith.index_cast %add3A_278 : i32 to index
        %swap3A_296 = arith.constant 16 : index
        %swap3A_297 = tpu.vector_load %arg8[%swap3A_294, %swap3A_295, %swap3A_296] {strides = array<i32>} : memref<4x128x32xf32, #tpu.memory_space<vmem>>, vector<1x1x16xf32>,
        %swap3A_298 = vector.shape_cast %swap3A_297 : vector<1x1x16xf32> to vector<16xf32>
        %swap3A_299 = vector.shape_cast %get3A_292 : vector<16xf32> to vector<1x1x16xf32>
        tpu.vector_store %arg8[%swap3A_294, %swap3A_295, %swap3A_296], %swap3A_299 {add = true, strides = array<i32>} : memref<4x128x32xf32, #tpu.memory_space<vmem>>, vector<1x1x16xf32>,
        %scan3A_300 = arith.constant 1 : i32
        %scan3A_301 = arith.addi %scan3A_274, %scan3A_300 : i32
        %mul3A_302 = arith.constant 1 : i32
        %mul3A_303 = arith.muli %scan3A_301, %mul3A_302 : i32
        %add3A_304 = arith.constant 0 : i32
        %add3A_305 = arith.addi %add3A_304, %mul3A_303 : i32
        %add3A_306 = arith.addi %rem3A_110, %add3A_305 : i32
        %get3A_307 = arith.index_cast %add3A_306 : i32 to index
        %get3A_308 = arith.constant 0 : index
        %get3A_309 = tpu.vector_load %arg7[%get3A_307, %get3A_308] {strides = array<i32>} : memref<400x32xf32, #tpu.memory_space<vmem>>, vector<1x16xf32>,
        %get3A_310 = vector.shape_cast %get3A_309 : vector<1x16xf32> to vector<16xf32>
        %swap3A_311 = arith.constant 0 : i32
        %swap3A_312 = arith.index_cast %swap3A_311 : i32 to index
        %swap3A_313 = arith.index_cast %add3A_305 : i32 to index
        %swap3A_314 = arith.constant 0 : index
        %swap3A_315 = tpu.vector_load %arg8[%swap3A_312, %swap3A_313, %swap3A_314] {strides = array<i32>} : memref<4x128x32xf32, #tpu.memory_space<vmem>>, vector<1x1x16xf32>,
        %swap3A_316 = vector.shape_cast %swap3A_315 : vector<1x1x16xf32> to vector<16xf32>
        %swap3A_317 = vector.shape_cast %get3A_310 : vector<16xf32> to vector<1x1x16xf32>
        tpu.vector_store %arg8[%swap3A_312, %swap3A_313, %swap3A_314], %swap3A_317 {add = true, strides = array<i32>} : memref<4x128x32xf32, #tpu.memory_space<vmem>>, vector<1x1x16xf32>,
        %get3A_318 = arith.index_cast %add3A_306 : i32 to index
        %get3A_319 = arith.constant 16 : index
        %get3A_320 = tpu.vector_load %arg7[%get3A_318, %get3A_319] {strides = array<i32>} : memref<400x32xf32, #tpu.memory_space<vmem>>, vector<1x16xf32>,
        %get3A_321 = vector.shape_cast %get3A_320 : vector<1x16xf32> to vector<16xf32>
        %swap3A_322 = arith.constant 0 : i32
        %swap3A_323 = arith.index_cast %swap3A_322 : i32 to index
        %swap3A_324 = arith.index_cast %add3A_305 : i32 to index
        %swap3A_325 = arith.constant 16 : index
        %swap3A_326 = tpu.vector_load %arg8[%swap3A_323, %swap3A_324, %swap3A_325] {strides = array<i32>} : memref<4x128x32xf32, #tpu.memory_space<vmem>>, vector<1x1x16xf32>,
        %swap3A_327 = vector.shape_cast %swap3A_326 : vector<1x1x16xf32> to vector<16xf32>
        %swap3A_328 = vector.shape_cast %get3A_321 : vector<16xf32> to vector<1x1x16xf32>
        tpu.vector_store %arg8[%swap3A_323, %swap3A_324, %swap3A_325], %swap3A_328 {add = true, strides = array<i32>} : memref<4x128x32xf32, #tpu.memory_space<vmem>>, vector<1x1x16xf32>,
        %scan3A_329 = arith.constant 2 : i32
        %scan3A_330 = arith.addi %scan3A_274, %scan3A_329 : i32
        %mul3A_331 = arith.constant 1 : i32
        %mul3A_332 = arith.muli %scan3A_330, %mul3A_331 : i32
        %add3A_333 = arith.constant 0 : i32
        %add3A_334 = arith.addi %add3A_333, %mul3A_332 : i32
        %add3A_335 = arith.addi %rem3A_110, %add3A_334 : i32
        %get3A_336 = arith.index_cast %add3A_335 : i32 to index
        %get3A_337 = arith.constant 0 : index
        %get3A_338 = tpu.vector_load %arg7[%get3A_336, %get3A_337] {strides = array<i32>} : memref<400x32xf32, #tpu.memory_space<vmem>>, vector<1x16xf32>,
        %get3A_339 = vector.shape_cast %get3A_338 : vector<1x16xf32> to vector<16xf32>
        %swap3A_340 = arith.constant 0 : i32
        %swap3A_341 = arith.index_cast %swap3A_340 : i32 to index
        %swap3A_342 = arith.index_cast %add3A_334 : i32 to index
        %swap3A_343 = arith.constant 0 : index
        %swap3A_344 = tpu.vector_load %arg8[%swap3A_341, %swap3A_342, %swap3A_343] {strides = array<i32>} : memref<4x128x32xf32, #tpu.memory_space<vmem>>, vector<1x1x16xf32>,
        %swap3A_345 = vector.shape_cast %swap3A_344 : vector<1x1x16xf32> to vector<16xf32>
        %swap3A_346 = vector.shape_cast %get3A_339 : vector<16xf32> to vector<1x1x16xf32>
        tpu.vector_store %arg8[%swap3A_341, %swap3A_342, %swap3A_343], %swap3A_346 {add = true, strides = array<i32>} : memref<4x128x32xf32, #tpu.memory_space<vmem>>, vector<1x1x16xf32>,
        %get3A_347 = arith.index_cast %add3A_335 : i32 to index
        %get3A_348 = arith.constant 16 : index
        %get3A_349 = tpu.vector_load %arg7[%get3A_347, %get3A_348] {strides = array<i32>} : memref<400x32xf32, #tpu.memory_space<vmem>>, vector<1x16xf32>,
        %get3A_350 = vector.shape_cast %get3A_349 : vector<1x16xf32> to vector<16xf32>
        %swap3A_351 = arith.constant 0 : i32
        %swap3A_352 = arith.index_cast %swap3A_351 : i32 to index
        %swap3A_353 = arith.index_cast %add3A_334 : i32 to index
        %swap3A_354 = arith.constant 16 : index
        %swap3A_355 = tpu.vector_load %arg8[%swap3A_352, %swap3A_353, %swap3A_354] {strides = array<i32>} : memref<4x128x32xf32, #tpu.memory_space<vmem>>, vector<1x1x16xf32>,
        %swap3A_356 = vector.shape_cast %swap3A_355 : vector<1x1x16xf32> to vector<16xf32>
        %swap3A_357 = vector.shape_cast %get3A_350 : vector<16xf32> to vector<1x1x16xf32>
        tpu.vector_store %arg8[%swap3A_352, %swap3A_353, %swap3A_354], %swap3A_357 {add = true, strides = array<i32>} : memref<4x128x32xf32, #tpu.memory_space<vmem>>, vector<1x1x16xf32>,
        %scan3A_358 = arith.constant 3 : i32
        %scan3A_359 = arith.addi %scan3A_274, %scan3A_358 : i32
        %mul3A_360 = arith.constant 1 : i32
        %mul3A_361 = arith.muli %scan3A_359, %mul3A_360 : i32
        %add3A_362 = arith.constant 0 : i32
        %add3A_363 = arith.addi %add3A_362, %mul3A_361 : i32
        %add3A_364 = arith.addi %rem3A_110, %add3A_363 : i32
        %get3A_365 = arith.index_cast %add3A_364 : i32 to index
        %get3A_366 = arith.constant 0 : index
        %get3A_367 = tpu.vector_load %arg7[%get3A_365, %get3A_366] {strides = array<i32>} : memref<400x32xf32, #tpu.memory_space<vmem>>, vector<1x16xf32>,
        %get3A_368 = vector.shape_cast %get3A_367 : vector<1x16xf32> to vector<16xf32>
        %swap3A_369 = arith.constant 0 : i32
        %swap3A_370 = arith.index_cast %swap3A_369 : i32 to index
        %swap3A_371 = arith.index_cast %add3A_363 : i32 to index
        %swap3A_372 = arith.constant 0 : index
        %swap3A_373 = tpu.vector_load %arg8[%swap3A_370, %swap3A_371, %swap3A_372] {strides = array<i32>} : memref<4x128x32xf32, #tpu.memory_space<vmem>>, vector<1x1x16xf32>,
        %swap3A_374 = vector.shape_cast %swap3A_373 : vector<1x1x16xf32> to vector<16xf32>
        %swap3A_375 = vector.shape_cast %get3A_368 : vector<16xf32> to vector<1x1x16xf32>
        tpu.vector_store %arg8[%swap3A_370, %swap3A_371, %swap3A_372], %swap3A_375 {add = true, strides = array<i32>} : memref<4x128x32xf32, #tpu.memory_space<vmem>>, vector<1x1x16xf32>,
        %get3A_376 = arith.index_cast %add3A_364 : i32 to index
        %get3A_377 = arith.constant 16 : index
        %get3A_378 = tpu.vector_load %arg7[%get3A_376, %get3A_377] {strides = array<i32>} : memref<400x32xf32, #tpu.memory_space<vmem>>, vector<1x16xf32>,
        %get3A_379 = vector.shape_cast %get3A_378 : vector<1x16xf32> to vector<16xf32>
        %swap3A_380 = arith.constant 0 : i32
        %swap3A_381 = arith.index_cast %swap3A_380 : i32 to index
        %swap3A_382 = arith.index_cast %add3A_363 : i32 to index
        %swap3A_383 = arith.constant 16 : index
        %swap3A_384 = tpu.vector_load %arg8[%swap3A_381, %swap3A_382, %swap3A_383] {strides = array<i32>} : memref<4x128x32xf32, #tpu.memory_space<vmem>>, vector<1x1x16xf32>,
        %swap3A_385 = vector.shape_cast %swap3A_384 : vector<1x1x16xf32> to vector<16xf32>
        %swap3A_386 = vector.shape_cast %get3A_379 : vector<16xf32> to vector<1x1x16xf32>
        tpu.vector_store %arg8[%swap3A_381, %swap3A_382, %swap3A_383], %swap3A_386 {add = true, strides = array<i32>} : memref<4x128x32xf32, #tpu.memory_space<vmem>>, vector<1x1x16xf32>,
        %scan3A_387 = arith.constant 4 : i32
        %scan3A_388 = arith.addi %scan3A_274, %scan3A_387 : i32
        %mul3A_389 = arith.constant 1 : i32
        %mul3A_390 = arith.muli %scan3A_388, %mul3A_389 : i32
        %add3A_391 = arith.constant 0 : i32
        %add3A_392 = arith.addi %add3A_391, %mul3A_390 : i32
        %add3A_393 = arith.addi %rem3A_110, %add3A_392 : i32
        %get3A_394 = arith.index_cast %add3A_393 : i32 to index
        %get3A_395 = arith.constant 0 : index
        %get3A_396 = tpu.vector_load %arg7[%get3A_394, %get3A_395] {strides = array<i32>} : memref<400x32xf32, #tpu.memory_space<vmem>>, vector<1x16xf32>,
        %get3A_397 = vector.shape_cast %get3A_396 : vector<1x16xf32> to vector<16xf32>
        %swap3A_398 = arith.constant 0 : i32
        %swap3A_399 = arith.index_cast %swap3A_398 : i32 to index
        %swap3A_400 = arith.index_cast %add3A_392 : i32 to index
        %swap3A_401 = arith.constant 0 : index
        %swap3A_402 = tpu.vector_load %arg8[%swap3A_399, %swap3A_400, %swap3A_401] {strides = array<i32>} : memref<4x128x32xf32, #tpu.memory_space<vmem>>, vector<1x1x16xf32>,
        %swap3A_403 = vector.shape_cast %swap3A_402 : vector<1x1x16xf32> to vector<16xf32>
        %swap3A_404 = vector.shape_cast %get3A_397 : vector<16xf32> to vector<1x1x16xf32>
        tpu.vector_store %arg8[%swap3A_399, %swap3A_400, %swap3A_401], %swap3A_404 {add = true, strides = array<i32>} : memref<4x128x32xf32, #tpu.memory_space<vmem>>, vector<1x1x16xf32>,
        %get3A_405 = arith.index_cast %add3A_393 : i32 to index
        %get3A_406 = arith.constant 16 : index
        %get3A_407 = tpu.vector_load %arg7[%get3A_405, %get3A_406] {strides = array<i32>} : memref<400x32xf32, #tpu.memory_space<vmem>>, vector<1x16xf32>,
        %get3A_408 = vector.shape_cast %get3A_407 : vector<1x16xf32> to vector<16xf32>
        %swap3A_409 = arith.constant 0 : i32
        %swap3A_410 = arith.index_cast %swap3A_409 : i32 to index
        %swap3A_411 = arith.index_cast %add3A_392 : i32 to index
        %swap3A_412 = arith.constant 16 : index
        %swap3A_413 = tpu.vector_load %arg8[%swap3A_410, %swap3A_411, %swap3A_412] {strides = array<i32>} : memref<4x128x32xf32, #tpu.memory_space<vmem>>, vector<1x1x16xf32>,
        %swap3A_414 = vector.shape_cast %swap3A_413 : vector<1x1x16xf32> to vector<16xf32>
        %swap3A_415 = vector.shape_cast %get3A_408 : vector<16xf32> to vector<1x1x16xf32>
        tpu.vector_store %arg8[%swap3A_410, %swap3A_411, %swap3A_412], %swap3A_415 {add = true, strides = array<i32>} : memref<4x128x32xf32, #tpu.memory_space<vmem>>, vector<1x1x16xf32>,
        %scan3A_416 = arith.constant 5 : i32
        %scan3A_417 = arith.addi %scan3A_274, %scan3A_416 : i32
        %mul3A_418 = arith.constant 1 : i32
        %mul3A_419 = arith.muli %scan3A_417, %mul3A_418 : i32
        %add3A_420 = arith.constant 0 : i32
        %add3A_421 = arith.addi %add3A_420, %mul3A_419 : i32
        %add3A_422 = arith.addi %rem3A_110, %add3A_421 : i32
        %get3A_423 = arith.index_cast %add3A_422 : i32 to index
        %get3A_424 = arith.constant 0 : index
        %get3A_425 = tpu.vector_load %arg7[%get3A_423, %get3A_424] {strides = array<i32>} : memref<400x32xf32, #tpu.memory_space<vmem>>, vector<1x16xf32>,
        %get3A_426 = vector.shape_cast %get3A_425 : vector<1x16xf32> to vector<16xf32>
        %swap3A_427 = arith.constant 0 : i32
        %swap3A_428 = arith.index_cast %swap3A_427 : i32 to index
        %swap3A_429 = arith.index_cast %add3A_421 : i32 to index
        %swap3A_430 = arith.constant 0 : index
        %swap3A_431 = tpu.vector_load %arg8[%swap3A_428, %swap3A_429, %swap3A_430] {strides = array<i32>} : memref<4x128x32xf32, #tpu.memory_space<vmem>>, vector<1x1x16xf32>,
        %swap3A_432 = vector.shape_cast %swap3A_431 : vector<1x1x16xf32> to vector<16xf32>
        %swap3A_433 = vector.shape_cast %get3A_426 : vector<16xf32> to vector<1x1x16xf32>
        tpu.vector_store %arg8[%swap3A_428, %swap3A_429, %swap3A_430], %swap3A_433 {add = true, strides = array<i32>} : memref<4x128x32xf32, #tpu.memory_space<vmem>>, vector<1x1x16xf32>,
        %get3A_434 = arith.index_cast %add3A_422 : i32 to index
        %get3A_435 = arith.constant 16 : index
        %get3A_436 = tpu.vector_load %arg7[%get3A_434, %get3A_435] {strides = array<i32>} : memref<400x32xf32, #tpu.memory_space<vmem>>, vector<1x16xf32>,
        %get3A_437 = vector.shape_cast %get3A_436 : vector<1x16xf32> to vector<16xf32>
        %swap3A_438 = arith.constant 0 : i32
        %swap3A_439 = arith.index_cast %swap3A_438 : i32 to index
        %swap3A_440 = arith.index_cast %add3A_421 : i32 to index
        %swap3A_441 = arith.constant 16 : index
        %swap3A_442 = tpu.vector_load %arg8[%swap3A_439, %swap3A_440, %swap3A_441] {strides = array<i32>} : memref<4x128x32xf32, #tpu.memory_space<vmem>>, vector<1x1x16xf32>,
        %swap3A_443 = vector.shape_cast %swap3A_442 : vector<1x1x16xf32> to vector<16xf32>
        %swap3A_444 = vector.shape_cast %get3A_437 : vector<16xf32> to vector<1x1x16xf32>
        tpu.vector_store %arg8[%swap3A_439, %swap3A_440, %swap3A_441], %swap3A_444 {add = true, strides = array<i32>} : memref<4x128x32xf32, #tpu.memory_space<vmem>>, vector<1x1x16xf32>,
        %scan3A_445 = arith.constant 6 : i32
        %scan3A_446 = arith.addi %scan3A_274, %scan3A_445 : i32
        %mul3A_447 = arith.constant 1 : i32
        %mul3A_448 = arith.muli %scan3A_446, %mul3A_447 : i32
        %add3A_449 = arith.constant 0 : i32
        %add3A_450 = arith.addi %add3A_449, %mul3A_448 : i32
        %add3A_451 = arith.addi %rem3A_110, %add3A_450 : i32
        %get3A_452 = arith.index_cast %add3A_451 : i32 to index
        %get3A_453 = arith.constant 0 : index
        %get3A_454 = tpu.vector_load %arg7[%get3A_452, %get3A_453] {strides = array<i32>} : memref<400x32xf32, #tpu.memory_space<vmem>>, vector<1x16xf32>,
        %get3A_455 = vector.shape_cast %get3A_454 : vector<1x16xf32> to vector<16xf32>
        %swap3A_456 = arith.constant 0 : i32
        %swap3A_457 = arith.index_cast %swap3A_456 : i32 to index
        %swap3A_458 = arith.index_cast %add3A_450 : i32 to index
        %swap3A_459 = arith.constant 0 : index
        %swap3A_460 = tpu.vector_load %arg8[%swap3A_457, %swap3A_458, %swap3A_459] {strides = array<i32>} : memref<4x128x32xf32, #tpu.memory_space<vmem>>, vector<1x1x16xf32>,
        %swap3A_461 = vector.shape_cast %swap3A_460 : vector<1x1x16xf32> to vector<16xf32>
        %swap3A_462 = vector.shape_cast %get3A_455 : vector<16xf32> to vector<1x1x16xf32>
        tpu.vector_store %arg8[%swap3A_457, %swap3A_458, %swap3A_459], %swap3A_462 {add = true, strides = array<i32>} : memref<4x128x32xf32, #tpu.memory_space<vmem>>, vector<1x1x16xf32>,
        %get3A_463 = arith.index_cast %add3A_451 : i32 to index
        %get3A_464 = arith.constant 16 : index
        %get3A_465 = tpu.vector_load %arg7[%get3A_463, %get3A_464] {strides = array<i32>} : memref<400x32xf32, #tpu.memory_space<vmem>>, vector<1x16xf32>,
        %get3A_466 = vector.shape_cast %get3A_465 : vector<1x16xf32> to vector<16xf32>
        %swap3A_467 = arith.constant 0 : i32
        %swap3A_468 = arith.index_cast %swap3A_467 : i32 to index
        %swap3A_469 = arith.index_cast %add3A_450 : i32 to index
        %swap3A_470 = arith.constant 16 : index
        %swap3A_471 = tpu.vector_load %arg8[%swap3A_468, %swap3A_469, %swap3A_470] {strides = array<i32>} : memref<4x128x32xf32, #tpu.memory_space<vmem>>, vector<1x1x16xf32>,
        %swap3A_472 = vector.shape_cast %swap3A_471 : vector<1x1x16xf32> to vector<16xf32>
        %swap3A_473 = vector.shape_cast %get3A_466 : vector<16xf32> to vector<1x1x16xf32>
        tpu.vector_store %arg8[%swap3A_468, %swap3A_469, %swap3A_470], %swap3A_473 {add = true, strides = array<i32>} : memref<4x128x32xf32, #tpu.memory_space<vmem>>, vector<1x1x16xf32>,
        %scan3A_474 = arith.constant 7 : i32
        %scan3A_475 = arith.addi %scan3A_274, %scan3A_474 : i32
        %mul3A_476 = arith.constant 1 : i32
        %mul3A_477 = arith.muli %scan3A_475, %mul3A_476 : i32
        %add3A_478 = arith.constant 0 : i32
        %add3A_479 = arith.addi %add3A_478, %mul3A_477 : i32
        %add3A_480 = arith.addi %rem3A_110, %add3A_479 : i32
        %get3A_481 = arith.index_cast %add3A_480 : i32 to index
        %get3A_482 = arith.constant 0 : index
        %get3A_483 = tpu.vector_load %arg7[%get3A_481, %get3A_482] {strides = array<i32>} : memref<400x32xf32, #tpu.memory_space<vmem>>, vector<1x16xf32>,
        %get3A_484 = vector.shape_cast %get3A_483 : vector<1x16xf32> to vector<16xf32>
        %swap3A_485 = arith.constant 0 : i32
        %swap3A_486 = arith.index_cast %swap3A_485 : i32 to index
        %swap3A_487 = arith.index_cast %add3A_479 : i32 to index
        %swap3A_488 = arith.constant 0 : index
        %swap3A_489 = tpu.vector_load %arg8[%swap3A_486, %swap3A_487, %swap3A_488] {strides = array<i32>} : memref<4x128x32xf32, #tpu.memory_space<vmem>>, vector<1x1x16xf32>,
        %swap3A_490 = vector.shape_cast %swap3A_489 : vector<1x1x16xf32> to vector<16xf32>
        %swap3A_491 = vector.shape_cast %get3A_484 : vector<16xf32> to vector<1x1x16xf32>
        tpu.vector_store %arg8[%swap3A_486, %swap3A_487, %swap3A_488], %swap3A_491 {add = true, strides = array<i32>} : memref<4x128x32xf32, #tpu.memory_space<vmem>>, vector<1x1x16xf32>,
        %get3A_492 = arith.index_cast %add3A_480 : i32 to index
        %get3A_493 = arith.constant 16 : index
        %get3A_494 = tpu.vector_load %arg7[%get3A_492, %get3A_493] {strides = array<i32>} : memref<400x32xf32, #tpu.memory_space<vmem>>, vector<1x16xf32>,
        %get3A_495 = vector.shape_cast %get3A_494 : vector<1x16xf32> to vector<16xf32>
        %swap3A_496 = arith.constant 0 : i32
        %swap3A_497 = arith.index_cast %swap3A_496 : i32 to index
        %swap3A_498 = arith.index_cast %add3A_479 : i32 to index
        %swap3A_499 = arith.constant 16 : index
        %swap3A_500 = tpu.vector_load %arg8[%swap3A_497, %swap3A_498, %swap3A_499] {strides = array<i32>} : memref<4x128x32xf32, #tpu.memory_space<vmem>>, vector<1x1x16xf32>,
        %swap3A_501 = vector.shape_cast %swap3A_500 : vector<1x1x16xf32> to vector<16xf32>
        %swap3A_502 = vector.shape_cast %get3A_495 : vector<16xf32> to vector<1x1x16xf32>
        tpu.vector_store %arg8[%swap3A_497, %swap3A_498, %swap3A_499], %swap3A_502 {add = true, strides = array<i32>} : memref<4x128x32xf32, #tpu.memory_space<vmem>>, vector<1x1x16xf32>,
      }
      %scan3A_115 = arith.constant 128 : i32
      %add3A_116 = arith.addi %mul3A_2, %add3A_95 : i32
      %mul3A_117 = arith.constant 128 : i32
      %mul3A_118 = arith.muli %add3A_116, %mul3A_117 : i32
      %dma_start3A_119 = arith.constant 0 : i32
      %dma_start3A_120 = arith.constant 0 : i32
      %dma_start3A_121 = arith.constant 0 : i32
      %dma_start3A_122 = tpu.memref_slice %arg8[%dma_start3A_119, %dma_start3A_120, %dma_start3A_121] : memref<4x128x32xf32, #tpu.memory_space<vmem>> -> memref<1x128x32xf32, #tpu.memory_space<vmem>>
      %dma_start3A_123 = tpu.memref_squeeze %dma_start3A_122 : memref<1x128x32xf32, #tpu.memory_space<vmem>> -> memref<128x32xf32, #tpu.memory_space<vmem>>
      %dma_start3A_124 = arith.constant 0 : i32
      %dma_start3A_125 = tpu.memref_slice %arg5[%mul3A_118, %dma_start3A_124] : memref<819200x32xf32, #tpu.memory_space<hbm>> -> memref<128x32xf32, #tpu.memory_space<hbm>>
      %dma_start3A_126 = arith.constant 0 : i32
      %dma_start3A_127 = tpu.memref_slice %arg5[%mul3A_118, %dma_start3A_126] : memref<819200x32xf32, #tpu.memory_space<hbm>> -> memref<128x32xf32, #tpu.memory_space<hbm>>
      %dma_start3A_128 = arith.constant 0 : i32
      %dma_start3A_129 = arith.constant 0 : i32
      %dma_start3A_130 = tpu.memref_slice %arg8[%dma_start3A_119, %dma_start3A_128, %dma_start3A_129] : memref<4x128x32xf32, #tpu.memory_space<vmem>> -> memref<1x128x32xf32, #tpu.memory_space<vmem>>
      %dma_start3A_131 = tpu.memref_squeeze %dma_start3A_130 : memref<1x128x32xf32, #tpu.memory_space<vmem>> -> memref<128x32xf32, #tpu.memory_space<vmem>>
      tpu.enqueue_dma source(%dma_start3A_131 : memref<128x32xf32, #tpu.memory_space<vmem>>) target(%dma_start3A_127 : memref<128x32xf32, #tpu.memory_space<hbm>>) target_semaphore(%arg13 : memref<!tpu.dma_semaphore, #tpu.memory_space<semaphore_mem>>)
      %add3A_132 = arith.constant 2 : i32
      %add3A_133 = arith.addi %add3A_95, %add3A_132 : i32
      %lt3A = arith.constant 200 : i32
      %lt3A_134 = arith.cmpi slt, %add3A_133, %lt3A : i32
      %convert_element_type3A = arith.extui %lt3A_134 : i1 to i32
      %cond3A = arith.constant 0 : i32
      %cond3A_135 = arith.cmpi ne, %convert_element_type3A, %cond3A : i32
      scf.if %cond3A_135 {
        %ge3A = arith.constant 2 : i32
        %ge3A_274 = arith.cmpi sge, %add3A_95, %ge3A : i32
        %convert_element_type3A_275 = arith.extui %ge3A_274 : i1 to i32
        %cond3A_276 = arith.constant 0 : i32
        %cond3A_277 = arith.cmpi ne, %convert_element_type3A_275, %cond3A_276 : i32
        scf.if %cond3A_277 {
          %dma_wait3A_291 = arith.constant 2 : i32
          %dma_wait3A_292 = arith.constant 0 : i32
          %dma_wait3A_293 = arith.constant 0 : i32
          %dma_wait3A_294 = tpu.memref_slice %arg8[%dma_wait3A_291, %dma_wait3A_292, %dma_wait3A_293] : memref<4x128x32xf32, #tpu.memory_space<vmem>> -> memref<1x128x32xf32, #tpu.memory_space<vmem>>
          %dma_wait3A_295 = tpu.memref_squeeze %dma_wait3A_294 : memref<1x128x32xf32, #tpu.memory_space<vmem>> -> memref<128x32xf32, #tpu.memory_space<vmem>>
          %dma_wait3A_296 = arith.constant 0 : i32
          %dma_wait3A_297 = arith.constant 0 : i32
          %dma_wait3A_298 = tpu.memref_slice %arg5[%dma_wait3A_296, %dma_wait3A_297] : memref<819200x32xf32, #tpu.memory_space<hbm>> -> memref<128x32xf32, #tpu.memory_space<hbm>>
          %dma_wait3A_299 = arith.constant 0 : i32
          %dma_wait3A_300 = arith.constant 0 : i32
          %dma_wait3A_301 = tpu.memref_slice %arg5[%dma_wait3A_299, %dma_wait3A_300] : memref<819200x32xf32, #tpu.memory_space<hbm>> -> memref<128x32xf32, #tpu.memory_space<hbm>>
          %dma_wait3A_302 = arith.constant 0 : i32
          %dma_wait3A_303 = arith.constant 0 : i32
          %dma_wait3A_304 = tpu.memref_slice %arg8[%dma_wait3A_291, %dma_wait3A_302, %dma_wait3A_303] : memref<4x128x32xf32, #tpu.memory_space<vmem>> -> memref<1x128x32xf32, #tpu.memory_space<vmem>>
          %dma_wait3A_305 = tpu.memref_squeeze %dma_wait3A_304 : memref<1x128x32xf32, #tpu.memory_space<vmem>> -> memref<128x32xf32, #tpu.memory_space<vmem>>
          tpu.wait_dma2 semaphore(%arg15 : memref<!tpu.dma_semaphore, #tpu.memory_space<semaphore_mem>>) src(%dma_wait3A_305 : memref<128x32xf32, #tpu.memory_space<vmem>>) dst(%dma_wait3A_301 : memref<128x32xf32, #tpu.memory_space<hbm>>)
        } else {
        }
        %add3A_278 = arith.constant 2 : i32
        %add3A_279 = arith.addi %add3A_95, %add3A_278 : i32
        %dma_start3A_280 = arith.constant 2 : i32
        %dma_start3A_281 = arith.constant 0 : i32
        %dma_start3A_282 = arith.constant 0 : i32
        %dma_start3A_283 = tpu.memref_slice %arg8[%dma_start3A_280, %dma_start3A_281, %dma_start3A_282] : memref<4x128x32xf32, #tpu.memory_space<vmem>> -> memref<1x128x32xf32, #tpu.memory_space<vmem>>
        %dma_start3A_284 = tpu.memref_squeeze %dma_start3A_283 : memref<1x128x32xf32, #tpu.memory_space<vmem>> -> memref<128x32xf32, #tpu.memory_space<vmem>>
        %dma_start3A_285 = arith.constant 0 : i32
        %dma_start3A_286 = tpu.memref_slice %arg6[%add3A_279, %dma_start3A_285] : memref<200x128xi32, #tpu.memory_space<vmem>> -> memref<1x128xi32, #tpu.memory_space<vmem>>
        %dma_start3A_287 = tpu.memref_squeeze %dma_start3A_286 : memref<1x128xi32, #tpu.memory_space<vmem>> -> memref<128xi32, #tpu.memory_space<vmem>>
        %dma_start3A_288 = arith.constant 0 : i32
        %dma_start3A_289 = arith.constant 0 : i32
        %dma_start3A_290 = tpu.memref_slice %arg3[%dma_start3A_288, %dma_start3A_289] : memref<1000000x32xf32, #tpu.memory_space<hbm>> -> memref<1000000x32xf32, #tpu.memory_space<hbm>>
        tpu.enqueue_indirect_dma source(%dma_start3A_290 : memref<1000000x32xf32, #tpu.memory_space<hbm>>) target(%dma_start3A_284 : memref<128x32xf32, #tpu.memory_space<vmem>>) offsets(%dma_start3A_287 : memref<128xi32, #tpu.memory_space<vmem>>) semaphore(%arg11 : memref<!tpu.dma_semaphore, #tpu.memory_space<semaphore_mem>>)
      } else {
      }
      %add3A_136 = arith.constant 1 : i32
      %add3A_137 = arith.addi %add3A_93, %add3A_136 : i32
      %dma_wait3A_138 = arith.constant 0 : i32
      %dma_wait3A_139 = arith.constant 1 : i32
      %dma_wait3A_140 = arith.constant 0 : i32
      %dma_wait3A_141 = arith.constant 0 : i32
      %dma_wait3A_142 = tpu.memref_slice %arg8[%dma_wait3A_139, %dma_wait3A_140, %dma_wait3A_141] : memref<4x128x32xf32, #tpu.memory_space<vmem>> -> memref<1x128x32xf32, #tpu.memory_space<vmem>>
      %dma_wait3A_143 = tpu.memref_squeeze %dma_wait3A_142 : memref<1x128x32xf32, #tpu.memory_space<vmem>> -> memref<128x32xf32, #tpu.memory_space<vmem>>
      %dma_wait3A_144 = arith.constant 0 : i32
      %dma_wait3A_145 = tpu.memref_slice %arg6[%dma_wait3A_138, %dma_wait3A_144] : memref<200x128xi32, #tpu.memory_space<vmem>> -> memref<1x128xi32, #tpu.memory_space<vmem>>
      %dma_wait3A_146 = tpu.memref_squeeze %dma_wait3A_145 : memref<1x128xi32, #tpu.memory_space<vmem>> -> memref<128xi32, #tpu.memory_space<vmem>>
      %dma_wait3A_147 = arith.constant 0 : i32
      %dma_wait3A_148 = arith.constant 0 : i32
      %dma_wait3A_149 = tpu.memref_slice %arg3[%dma_wait3A_147, %dma_wait3A_148] : memref<1000000x32xf32, #tpu.memory_space<hbm>> -> memref<1000000x32xf32, #tpu.memory_space<hbm>>
      tpu.wait_indirect_dma semaphore(%arg10 : memref<!tpu.dma_semaphore, #tpu.memory_space<semaphore_mem>>) src(%dma_wait3A_149 : memref<1000000x32xf32, #tpu.memory_space<hbm>>) dst(%dma_wait3A_143 : memref<128x32xf32, #tpu.memory_space<vmem>>)
      %mul3A_150 = arith.constant 128 : i32
      %mul3A_151 = arith.muli %add3A_137, %mul3A_150 : i32
      %rem3A_152 = arith.constant 200 : i32
      %rem3A_153 = arith.remsi %mul3A_151, %rem3A_152 : i32
      %scan3A_154 = arith.constant 0 : i32
      %scan3A_155 = arith.constant 128 : i32
      %scan3A_156 = arith.addi %scan3A_154, %scan3A_155 : i32
      %scan3A_157 = arith.constant 8 : i32
      scf.for %scan3A_274 = %scan3A_154 to %scan3A_156 step %scan3A_157  : i32 {
        %mul3A_275 = arith.constant 1 : i32
        %mul3A_276 = arith.muli %scan3A_274, %mul3A_275 : i32
        %add3A_277 = arith.constant 0 : i32
        %add3A_278 = arith.addi %add3A_277, %mul3A_276 : i32
        %add3A_279 = arith.addi %rem3A_153, %add3A_278 : i32
        %get3A = arith.index_cast %add3A_279 : i32 to index
        %get3A_280 = arith.constant 0 : index
        %get3A_281 = tpu.vector_load %arg7[%get3A, %get3A_280] {strides = array<i32>} : memref<400x32xf32, #tpu.memory_space<vmem>>, vector<1x16xf32>,
        %get3A_282 = vector.shape_cast %get3A_281 : vector<1x16xf32> to vector<16xf32>
        %swap3A = arith.constant 1 : i32
        %swap3A_283 = arith.index_cast %swap3A : i32 to index
        %swap3A_284 = arith.index_cast %add3A_278 : i32 to index
        %swap3A_285 = arith.constant 0 : index
        %swap3A_286 = tpu.vector_load %arg8[%swap3A_283, %swap3A_284, %swap3A_285] {strides = array<i32>} : memref<4x128x32xf32, #tpu.memory_space<vmem>>, vector<1x1x16xf32>,
        %swap3A_287 = vector.shape_cast %swap3A_286 : vector<1x1x16xf32> to vector<16xf32>
        %swap3A_288 = vector.shape_cast %get3A_282 : vector<16xf32> to vector<1x1x16xf32>
        tpu.vector_store %arg8[%swap3A_283, %swap3A_284, %swap3A_285], %swap3A_288 {add = true, strides = array<i32>} : memref<4x128x32xf32, #tpu.memory_space<vmem>>, vector<1x1x16xf32>,
        %get3A_289 = arith.index_cast %add3A_279 : i32 to index
        %get3A_290 = arith.constant 16 : index
        %get3A_291 = tpu.vector_load %arg7[%get3A_289, %get3A_290] {strides = array<i32>} : memref<400x32xf32, #tpu.memory_space<vmem>>, vector<1x16xf32>,
        %get3A_292 = vector.shape_cast %get3A_291 : vector<1x16xf32> to vector<16xf32>
        %swap3A_293 = arith.constant 1 : i32
        %swap3A_294 = arith.index_cast %swap3A_293 : i32 to index
        %swap3A_295 = arith.index_cast %add3A_278 : i32 to index
        %swap3A_296 = arith.constant 16 : index
        %swap3A_297 = tpu.vector_load %arg8[%swap3A_294, %swap3A_295, %swap3A_296] {strides = array<i32>} : memref<4x128x32xf32, #tpu.memory_space<vmem>>, vector<1x1x16xf32>,
        %swap3A_298 = vector.shape_cast %swap3A_297 : vector<1x1x16xf32> to vector<16xf32>
        %swap3A_299 = vector.shape_cast %get3A_292 : vector<16xf32> to vector<1x1x16xf32>
        tpu.vector_store %arg8[%swap3A_294, %swap3A_295, %swap3A_296], %swap3A_299 {add = true, strides = array<i32>} : memref<4x128x32xf32, #tpu.memory_space<vmem>>, vector<1x1x16xf32>,
        %scan3A_300 = arith.constant 1 : i32
        %scan3A_301 = arith.addi %scan3A_274, %scan3A_300 : i32
        %mul3A_302 = arith.constant 1 : i32
        %mul3A_303 = arith.muli %scan3A_301, %mul3A_302 : i32
        %add3A_304 = arith.constant 0 : i32
        %add3A_305 = arith.addi %add3A_304, %mul3A_303 : i32
        %add3A_306 = arith.addi %rem3A_153, %add3A_305 : i32
        %get3A_307 = arith.index_cast %add3A_306 : i32 to index
        %get3A_308 = arith.constant 0 : index
        %get3A_309 = tpu.vector_load %arg7[%get3A_307, %get3A_308] {strides = array<i32>} : memref<400x32xf32, #tpu.memory_space<vmem>>, vector<1x16xf32>,
        %get3A_310 = vector.shape_cast %get3A_309 : vector<1x16xf32> to vector<16xf32>
        %swap3A_311 = arith.constant 1 : i32
        %swap3A_312 = arith.index_cast %swap3A_311 : i32 to index
        %swap3A_313 = arith.index_cast %add3A_305 : i32 to index
        %swap3A_314 = arith.constant 0 : index
        %swap3A_315 = tpu.vector_load %arg8[%swap3A_312, %swap3A_313, %swap3A_314] {strides = array<i32>} : memref<4x128x32xf32, #tpu.memory_space<vmem>>, vector<1x1x16xf32>,
        %swap3A_316 = vector.shape_cast %swap3A_315 : vector<1x1x16xf32> to vector<16xf32>
        %swap3A_317 = vector.shape_cast %get3A_310 : vector<16xf32> to vector<1x1x16xf32>
        tpu.vector_store %arg8[%swap3A_312, %swap3A_313, %swap3A_314], %swap3A_317 {add = true, strides = array<i32>} : memref<4x128x32xf32, #tpu.memory_space<vmem>>, vector<1x1x16xf32>,
        %get3A_318 = arith.index_cast %add3A_306 : i32 to index
        %get3A_319 = arith.constant 16 : index
        %get3A_320 = tpu.vector_load %arg7[%get3A_318, %get3A_319] {strides = array<i32>} : memref<400x32xf32, #tpu.memory_space<vmem>>, vector<1x16xf32>,
        %get3A_321 = vector.shape_cast %get3A_320 : vector<1x16xf32> to vector<16xf32>
        %swap3A_322 = arith.constant 1 : i32
        %swap3A_323 = arith.index_cast %swap3A_322 : i32 to index
        %swap3A_324 = arith.index_cast %add3A_305 : i32 to index
        %swap3A_325 = arith.constant 16 : index
        %swap3A_326 = tpu.vector_load %arg8[%swap3A_323, %swap3A_324, %swap3A_325] {strides = array<i32>} : memref<4x128x32xf32, #tpu.memory_space<vmem>>, vector<1x1x16xf32>,
        %swap3A_327 = vector.shape_cast %swap3A_326 : vector<1x1x16xf32> to vector<16xf32>
        %swap3A_328 = vector.shape_cast %get3A_321 : vector<16xf32> to vector<1x1x16xf32>
        tpu.vector_store %arg8[%swap3A_323, %swap3A_324, %swap3A_325], %swap3A_328 {add = true, strides = array<i32>} : memref<4x128x32xf32, #tpu.memory_space<vmem>>, vector<1x1x16xf32>,
        %scan3A_329 = arith.constant 2 : i32
        %scan3A_330 = arith.addi %scan3A_274, %scan3A_329 : i32
        %mul3A_331 = arith.constant 1 : i32
        %mul3A_332 = arith.muli %scan3A_330, %mul3A_331 : i32
        %add3A_333 = arith.constant 0 : i32
        %add3A_334 = arith.addi %add3A_333, %mul3A_332 : i32
        %add3A_335 = arith.addi %rem3A_153, %add3A_334 : i32
        %get3A_336 = arith.index_cast %add3A_335 : i32 to index
        %get3A_337 = arith.constant 0 : index
        %get3A_338 = tpu.vector_load %arg7[%get3A_336, %get3A_337] {strides = array<i32>} : memref<400x32xf32, #tpu.memory_space<vmem>>, vector<1x16xf32>,
        %get3A_339 = vector.shape_cast %get3A_338 : vector<1x16xf32> to vector<16xf32>
        %swap3A_340 = arith.constant 1 : i32
        %swap3A_341 = arith.index_cast %swap3A_340 : i32 to index
        %swap3A_342 = arith.index_cast %add3A_334 : i32 to index
        %swap3A_343 = arith.constant 0 : index
        %swap3A_344 = tpu.vector_load %arg8[%swap3A_341, %swap3A_342, %swap3A_343] {strides = array<i32>} : memref<4x128x32xf32, #tpu.memory_space<vmem>>, vector<1x1x16xf32>,
        %swap3A_345 = vector.shape_cast %swap3A_344 : vector<1x1x16xf32> to vector<16xf32>
        %swap3A_346 = vector.shape_cast %get3A_339 : vector<16xf32> to vector<1x1x16xf32>
        tpu.vector_store %arg8[%swap3A_341, %swap3A_342, %swap3A_343], %swap3A_346 {add = true, strides = array<i32>} : memref<4x128x32xf32, #tpu.memory_space<vmem>>, vector<1x1x16xf32>,
        %get3A_347 = arith.index_cast %add3A_335 : i32 to index
        %get3A_348 = arith.constant 16 : index
        %get3A_349 = tpu.vector_load %arg7[%get3A_347, %get3A_348] {strides = array<i32>} : memref<400x32xf32, #tpu.memory_space<vmem>>, vector<1x16xf32>,
        %get3A_350 = vector.shape_cast %get3A_349 : vector<1x16xf32> to vector<16xf32>
        %swap3A_351 = arith.constant 1 : i32
        %swap3A_352 = arith.index_cast %swap3A_351 : i32 to index
        %swap3A_353 = arith.index_cast %add3A_334 : i32 to index
        %swap3A_354 = arith.constant 16 : index
        %swap3A_355 = tpu.vector_load %arg8[%swap3A_352, %swap3A_353, %swap3A_354] {strides = array<i32>} : memref<4x128x32xf32, #tpu.memory_space<vmem>>, vector<1x1x16xf32>,
        %swap3A_356 = vector.shape_cast %swap3A_355 : vector<1x1x16xf32> to vector<16xf32>
        %swap3A_357 = vector.shape_cast %get3A_350 : vector<16xf32> to vector<1x1x16xf32>
        tpu.vector_store %arg8[%swap3A_352, %swap3A_353, %swap3A_354], %swap3A_357 {add = true, strides = array<i32>} : memref<4x128x32xf32, #tpu.memory_space<vmem>>, vector<1x1x16xf32>,
        %scan3A_358 = arith.constant 3 : i32
        %scan3A_359 = arith.addi %scan3A_274, %scan3A_358 : i32
        %mul3A_360 = arith.constant 1 : i32
        %mul3A_361 = arith.muli %scan3A_359, %mul3A_360 : i32
        %add3A_362 = arith.constant 0 : i32
        %add3A_363 = arith.addi %add3A_362, %mul3A_361 : i32
        %add3A_364 = arith.addi %rem3A_153, %add3A_363 : i32
        %get3A_365 = arith.index_cast %add3A_364 : i32 to index
        %get3A_366 = arith.constant 0 : index
        %get3A_367 = tpu.vector_load %arg7[%get3A_365, %get3A_366] {strides = array<i32>} : memref<400x32xf32, #tpu.memory_space<vmem>>, vector<1x16xf32>,
        %get3A_368 = vector.shape_cast %get3A_367 : vector<1x16xf32> to vector<16xf32>
        %swap3A_369 = arith.constant 1 : i32
        %swap3A_370 = arith.index_cast %swap3A_369 : i32 to index
        %swap3A_371 = arith.index_cast %add3A_363 : i32 to index
        %swap3A_372 = arith.constant 0 : index
        %swap3A_373 = tpu.vector_load %arg8[%swap3A_370, %swap3A_371, %swap3A_372] {strides = array<i32>} : memref<4x128x32xf32, #tpu.memory_space<vmem>>, vector<1x1x16xf32>,
        %swap3A_374 = vector.shape_cast %swap3A_373 : vector<1x1x16xf32> to vector<16xf32>
        %swap3A_375 = vector.shape_cast %get3A_368 : vector<16xf32> to vector<1x1x16xf32>
        tpu.vector_store %arg8[%swap3A_370, %swap3A_371, %swap3A_372], %swap3A_375 {add = true, strides = array<i32>} : memref<4x128x32xf32, #tpu.memory_space<vmem>>, vector<1x1x16xf32>,
        %get3A_376 = arith.index_cast %add3A_364 : i32 to index
        %get3A_377 = arith.constant 16 : index
        %get3A_378 = tpu.vector_load %arg7[%get3A_376, %get3A_377] {strides = array<i32>} : memref<400x32xf32, #tpu.memory_space<vmem>>, vector<1x16xf32>,
        %get3A_379 = vector.shape_cast %get3A_378 : vector<1x16xf32> to vector<16xf32>
        %swap3A_380 = arith.constant 1 : i32
        %swap3A_381 = arith.index_cast %swap3A_380 : i32 to index
        %swap3A_382 = arith.index_cast %add3A_363 : i32 to index
        %swap3A_383 = arith.constant 16 : index
        %swap3A_384 = tpu.vector_load %arg8[%swap3A_381, %swap3A_382, %swap3A_383] {strides = array<i32>} : memref<4x128x32xf32, #tpu.memory_space<vmem>>, vector<1x1x16xf32>,
        %swap3A_385 = vector.shape_cast %swap3A_384 : vector<1x1x16xf32> to vector<16xf32>
        %swap3A_386 = vector.shape_cast %get3A_379 : vector<16xf32> to vector<1x1x16xf32>
        tpu.vector_store %arg8[%swap3A_381, %swap3A_382, %swap3A_383], %swap3A_386 {add = true, strides = array<i32>} : memref<4x128x32xf32, #tpu.memory_space<vmem>>, vector<1x1x16xf32>,
        %scan3A_387 = arith.constant 4 : i32
        %scan3A_388 = arith.addi %scan3A_274, %scan3A_387 : i32
        %mul3A_389 = arith.constant 1 : i32
        %mul3A_390 = arith.muli %scan3A_388, %mul3A_389 : i32
        %add3A_391 = arith.constant 0 : i32
        %add3A_392 = arith.addi %add3A_391, %mul3A_390 : i32
        %add3A_393 = arith.addi %rem3A_153, %add3A_392 : i32
        %get3A_394 = arith.index_cast %add3A_393 : i32 to index
        %get3A_395 = arith.constant 0 : index
        %get3A_396 = tpu.vector_load %arg7[%get3A_394, %get3A_395] {strides = array<i32>} : memref<400x32xf32, #tpu.memory_space<vmem>>, vector<1x16xf32>,
        %get3A_397 = vector.shape_cast %get3A_396 : vector<1x16xf32> to vector<16xf32>
        %swap3A_398 = arith.constant 1 : i32
        %swap3A_399 = arith.index_cast %swap3A_398 : i32 to index
        %swap3A_400 = arith.index_cast %add3A_392 : i32 to index
        %swap3A_401 = arith.constant 0 : index
        %swap3A_402 = tpu.vector_load %arg8[%swap3A_399, %swap3A_400, %swap3A_401] {strides = array<i32>} : memref<4x128x32xf32, #tpu.memory_space<vmem>>, vector<1x1x16xf32>,
        %swap3A_403 = vector.shape_cast %swap3A_402 : vector<1x1x16xf32> to vector<16xf32>
        %swap3A_404 = vector.shape_cast %get3A_397 : vector<16xf32> to vector<1x1x16xf32>
        tpu.vector_store %arg8[%swap3A_399, %swap3A_400, %swap3A_401], %swap3A_404 {add = true, strides = array<i32>} : memref<4x128x32xf32, #tpu.memory_space<vmem>>, vector<1x1x16xf32>,
        %get3A_405 = arith.index_cast %add3A_393 : i32 to index
        %get3A_406 = arith.constant 16 : index
        %get3A_407 = tpu.vector_load %arg7[%get3A_405, %get3A_406] {strides = array<i32>} : memref<400x32xf32, #tpu.memory_space<vmem>>, vector<1x16xf32>,
        %get3A_408 = vector.shape_cast %get3A_407 : vector<1x16xf32> to vector<16xf32>
        %swap3A_409 = arith.constant 1 : i32
        %swap3A_410 = arith.index_cast %swap3A_409 : i32 to index
        %swap3A_411 = arith.index_cast %add3A_392 : i32 to index
        %swap3A_412 = arith.constant 16 : index
        %swap3A_413 = tpu.vector_load %arg8[%swap3A_410, %swap3A_411, %swap3A_412] {strides = array<i32>} : memref<4x128x32xf32, #tpu.memory_space<vmem>>, vector<1x1x16xf32>,
        %swap3A_414 = vector.shape_cast %swap3A_413 : vector<1x1x16xf32> to vector<16xf32>
        %swap3A_415 = vector.shape_cast %get3A_408 : vector<16xf32> to vector<1x1x16xf32>
        tpu.vector_store %arg8[%swap3A_410, %swap3A_411, %swap3A_412], %swap3A_415 {add = true, strides = array<i32>} : memref<4x128x32xf32, #tpu.memory_space<vmem>>, vector<1x1x16xf32>,
        %scan3A_416 = arith.constant 5 : i32
        %scan3A_417 = arith.addi %scan3A_274, %scan3A_416 : i32
        %mul3A_418 = arith.constant 1 : i32
        %mul3A_419 = arith.muli %scan3A_417, %mul3A_418 : i32
        %add3A_420 = arith.constant 0 : i32
        %add3A_421 = arith.addi %add3A_420, %mul3A_419 : i32
        %add3A_422 = arith.addi %rem3A_153, %add3A_421 : i32
        %get3A_423 = arith.index_cast %add3A_422 : i32 to index
        %get3A_424 = arith.constant 0 : index
        %get3A_425 = tpu.vector_load %arg7[%get3A_423, %get3A_424] {strides = array<i32>} : memref<400x32xf32, #tpu.memory_space<vmem>>, vector<1x16xf32>,
        %get3A_426 = vector.shape_cast %get3A_425 : vector<1x16xf32> to vector<16xf32>
        %swap3A_427 = arith.constant 1 : i32
        %swap3A_428 = arith.index_cast %swap3A_427 : i32 to index
        %swap3A_429 = arith.index_cast %add3A_421 : i32 to index
        %swap3A_430 = arith.constant 0 : index
        %swap3A_431 = tpu.vector_load %arg8[%swap3A_428, %swap3A_429, %swap3A_430] {strides = array<i32>} : memref<4x128x32xf32, #tpu.memory_space<vmem>>, vector<1x1x16xf32>,
        %swap3A_432 = vector.shape_cast %swap3A_431 : vector<1x1x16xf32> to vector<16xf32>
        %swap3A_433 = vector.shape_cast %get3A_426 : vector<16xf32> to vector<1x1x16xf32>
        tpu.vector_store %arg8[%swap3A_428, %swap3A_429, %swap3A_430], %swap3A_433 {add = true, strides = array<i32>} : memref<4x128x32xf32, #tpu.memory_space<vmem>>, vector<1x1x16xf32>,
        %get3A_434 = arith.index_cast %add3A_422 : i32 to index
        %get3A_435 = arith.constant 16 : index
        %get3A_436 = tpu.vector_load %arg7[%get3A_434, %get3A_435] {strides = array<i32>} : memref<400x32xf32, #tpu.memory_space<vmem>>, vector<1x16xf32>,
        %get3A_437 = vector.shape_cast %get3A_436 : vector<1x16xf32> to vector<16xf32>
        %swap3A_438 = arith.constant 1 : i32
        %swap3A_439 = arith.index_cast %swap3A_438 : i32 to index
        %swap3A_440 = arith.index_cast %add3A_421 : i32 to index
        %swap3A_441 = arith.constant 16 : index
        %swap3A_442 = tpu.vector_load %arg8[%swap3A_439, %swap3A_440, %swap3A_441] {strides = array<i32>} : memref<4x128x32xf32, #tpu.memory_space<vmem>>, vector<1x1x16xf32>,
        %swap3A_443 = vector.shape_cast %swap3A_442 : vector<1x1x16xf32> to vector<16xf32>
        %swap3A_444 = vector.shape_cast %get3A_437 : vector<16xf32> to vector<1x1x16xf32>
        tpu.vector_store %arg8[%swap3A_439, %swap3A_440, %swap3A_441], %swap3A_444 {add = true, strides = array<i32>} : memref<4x128x32xf32, #tpu.memory_space<vmem>>, vector<1x1x16xf32>,
        %scan3A_445 = arith.constant 6 : i32
        %scan3A_446 = arith.addi %scan3A_274, %scan3A_445 : i32
        %mul3A_447 = arith.constant 1 : i32
        %mul3A_448 = arith.muli %scan3A_446, %mul3A_447 : i32
        %add3A_449 = arith.constant 0 : i32
        %add3A_450 = arith.addi %add3A_449, %mul3A_448 : i32
        %add3A_451 = arith.addi %rem3A_153, %add3A_450 : i32
        %get3A_452 = arith.index_cast %add3A_451 : i32 to index
        %get3A_453 = arith.constant 0 : index
        %get3A_454 = tpu.vector_load %arg7[%get3A_452, %get3A_453] {strides = array<i32>} : memref<400x32xf32, #tpu.memory_space<vmem>>, vector<1x16xf32>,
        %get3A_455 = vector.shape_cast %get3A_454 : vector<1x16xf32> to vector<16xf32>
        %swap3A_456 = arith.constant 1 : i32
        %swap3A_457 = arith.index_cast %swap3A_456 : i32 to index
        %swap3A_458 = arith.index_cast %add3A_450 : i32 to index
        %swap3A_459 = arith.constant 0 : index
        %swap3A_460 = tpu.vector_load %arg8[%swap3A_457, %swap3A_458, %swap3A_459] {strides = array<i32>} : memref<4x128x32xf32, #tpu.memory_space<vmem>>, vector<1x1x16xf32>,
        %swap3A_461 = vector.shape_cast %swap3A_460 : vector<1x1x16xf32> to vector<16xf32>
        %swap3A_462 = vector.shape_cast %get3A_455 : vector<16xf32> to vector<1x1x16xf32>
        tpu.vector_store %arg8[%swap3A_457, %swap3A_458, %swap3A_459], %swap3A_462 {add = true, strides = array<i32>} : memref<4x128x32xf32, #tpu.memory_space<vmem>>, vector<1x1x16xf32>,
        %get3A_463 = arith.index_cast %add3A_451 : i32 to index
        %get3A_464 = arith.constant 16 : index
        %get3A_465 = tpu.vector_load %arg7[%get3A_463, %get3A_464] {strides = array<i32>} : memref<400x32xf32, #tpu.memory_space<vmem>>, vector<1x16xf32>,
        %get3A_466 = vector.shape_cast %get3A_465 : vector<1x16xf32> to vector<16xf32>
        %swap3A_467 = arith.constant 1 : i32
        %swap3A_468 = arith.index_cast %swap3A_467 : i32 to index
        %swap3A_469 = arith.index_cast %add3A_450 : i32 to index
        %swap3A_470 = arith.constant 16 : index
        %swap3A_471 = tpu.vector_load %arg8[%swap3A_468, %swap3A_469, %swap3A_470] {strides = array<i32>} : memref<4x128x32xf32, #tpu.memory_space<vmem>>, vector<1x1x16xf32>,
        %swap3A_472 = vector.shape_cast %swap3A_471 : vector<1x1x16xf32> to vector<16xf32>
        %swap3A_473 = vector.shape_cast %get3A_466 : vector<16xf32> to vector<1x1x16xf32>
        tpu.vector_store %arg8[%swap3A_468, %swap3A_469, %swap3A_470], %swap3A_473 {add = true, strides = array<i32>} : memref<4x128x32xf32, #tpu.memory_space<vmem>>, vector<1x1x16xf32>,
        %scan3A_474 = arith.constant 7 : i32
        %scan3A_475 = arith.addi %scan3A_274, %scan3A_474 : i32
        %mul3A_476 = arith.constant 1 : i32
        %mul3A_477 = arith.muli %scan3A_475, %mul3A_476 : i32
        %add3A_478 = arith.constant 0 : i32
        %add3A_479 = arith.addi %add3A_478, %mul3A_477 : i32
        %add3A_480 = arith.addi %rem3A_153, %add3A_479 : i32
        %get3A_481 = arith.index_cast %add3A_480 : i32 to index
        %get3A_482 = arith.constant 0 : index
        %get3A_483 = tpu.vector_load %arg7[%get3A_481, %get3A_482] {strides = array<i32>} : memref<400x32xf32, #tpu.memory_space<vmem>>, vector<1x16xf32>,
        %get3A_484 = vector.shape_cast %get3A_483 : vector<1x16xf32> to vector<16xf32>
        %swap3A_485 = arith.constant 1 : i32
        %swap3A_486 = arith.index_cast %swap3A_485 : i32 to index
        %swap3A_487 = arith.index_cast %add3A_479 : i32 to index
        %swap3A_488 = arith.constant 0 : index
        %swap3A_489 = tpu.vector_load %arg8[%swap3A_486, %swap3A_487, %swap3A_488] {strides = array<i32>} : memref<4x128x32xf32, #tpu.memory_space<vmem>>, vector<1x1x16xf32>,
        %swap3A_490 = vector.shape_cast %swap3A_489 : vector<1x1x16xf32> to vector<16xf32>
        %swap3A_491 = vector.shape_cast %get3A_484 : vector<16xf32> to vector<1x1x16xf32>
        tpu.vector_store %arg8[%swap3A_486, %swap3A_487, %swap3A_488], %swap3A_491 {add = true, strides = array<i32>} : memref<4x128x32xf32, #tpu.memory_space<vmem>>, vector<1x1x16xf32>,
        %get3A_492 = arith.index_cast %add3A_480 : i32 to index
        %get3A_493 = arith.constant 16 : index
        %get3A_494 = tpu.vector_load %arg7[%get3A_492, %get3A_493] {strides = array<i32>} : memref<400x32xf32, #tpu.memory_space<vmem>>, vector<1x16xf32>,
        %get3A_495 = vector.shape_cast %get3A_494 : vector<1x16xf32> to vector<16xf32>
        %swap3A_496 = arith.constant 1 : i32
        %swap3A_497 = arith.index_cast %swap3A_496 : i32 to index
        %swap3A_498 = arith.index_cast %add3A_479 : i32 to index
        %swap3A_499 = arith.constant 16 : index
        %swap3A_500 = tpu.vector_load %arg8[%swap3A_497, %swap3A_498, %swap3A_499] {strides = array<i32>} : memref<4x128x32xf32, #tpu.memory_space<vmem>>, vector<1x1x16xf32>,
        %swap3A_501 = vector.shape_cast %swap3A_500 : vector<1x1x16xf32> to vector<16xf32>
        %swap3A_502 = vector.shape_cast %get3A_495 : vector<16xf32> to vector<1x1x16xf32>
        tpu.vector_store %arg8[%swap3A_497, %swap3A_498, %swap3A_499], %swap3A_502 {add = true, strides = array<i32>} : memref<4x128x32xf32, #tpu.memory_space<vmem>>, vector<1x1x16xf32>,
      }
      %scan3A_158 = arith.constant 128 : i32
      %add3A_159 = arith.addi %mul3A_2, %add3A_137 : i32
      %mul3A_160 = arith.constant 128 : i32
      %mul3A_161 = arith.muli %add3A_159, %mul3A_160 : i32
      %dma_start3A_162 = arith.constant 1 : i32
      %dma_start3A_163 = arith.constant 0 : i32
      %dma_start3A_164 = arith.constant 0 : i32
      %dma_start3A_165 = tpu.memref_slice %arg8[%dma_start3A_162, %dma_start3A_163, %dma_start3A_164] : memref<4x128x32xf32, #tpu.memory_space<vmem>> -> memref<1x128x32xf32, #tpu.memory_space<vmem>>
      %dma_start3A_166 = tpu.memref_squeeze %dma_start3A_165 : memref<1x128x32xf32, #tpu.memory_space<vmem>> -> memref<128x32xf32, #tpu.memory_space<vmem>>
      %dma_start3A_167 = arith.constant 0 : i32
      %dma_start3A_168 = tpu.memref_slice %arg5[%mul3A_161, %dma_start3A_167] : memref<819200x32xf32, #tpu.memory_space<hbm>> -> memref<128x32xf32, #tpu.memory_space<hbm>>
      %dma_start3A_169 = arith.constant 0 : i32
      %dma_start3A_170 = tpu.memref_slice %arg5[%mul3A_161, %dma_start3A_169] : memref<819200x32xf32, #tpu.memory_space<hbm>> -> memref<128x32xf32, #tpu.memory_space<hbm>>
      %dma_start3A_171 = arith.constant 0 : i32
      %dma_start3A_172 = arith.constant 0 : i32
      %dma_start3A_173 = tpu.memref_slice %arg8[%dma_start3A_162, %dma_start3A_171, %dma_start3A_172] : memref<4x128x32xf32, #tpu.memory_space<vmem>> -> memref<1x128x32xf32, #tpu.memory_space<vmem>>
      %dma_start3A_174 = tpu.memref_squeeze %dma_start3A_173 : memref<1x128x32xf32, #tpu.memory_space<vmem>> -> memref<128x32xf32, #tpu.memory_space<vmem>>
      tpu.enqueue_dma source(%dma_start3A_174 : memref<128x32xf32, #tpu.memory_space<vmem>>) target(%dma_start3A_170 : memref<128x32xf32, #tpu.memory_space<hbm>>) target_semaphore(%arg14 : memref<!tpu.dma_semaphore, #tpu.memory_space<semaphore_mem>>)
      %add3A_175 = arith.constant 2 : i32
      %add3A_176 = arith.addi %add3A_137, %add3A_175 : i32
      %lt3A_177 = arith.constant 200 : i32
      %lt3A_178 = arith.cmpi slt, %add3A_176, %lt3A_177 : i32
      %convert_element_type3A_179 = arith.extui %lt3A_178 : i1 to i32
      %cond3A_180 = arith.constant 0 : i32
      %cond3A_181 = arith.cmpi ne, %convert_element_type3A_179, %cond3A_180 : i32
      scf.if %cond3A_181 {
        %ge3A = arith.constant 2 : i32
        %ge3A_274 = arith.cmpi sge, %add3A_137, %ge3A : i32
        %convert_element_type3A_275 = arith.extui %ge3A_274 : i1 to i32
        %cond3A_276 = arith.constant 0 : i32
        %cond3A_277 = arith.cmpi ne, %convert_element_type3A_275, %cond3A_276 : i32
        scf.if %cond3A_277 {
          %dma_wait3A_291 = arith.constant 3 : i32
          %dma_wait3A_292 = arith.constant 0 : i32
          %dma_wait3A_293 = arith.constant 0 : i32
          %dma_wait3A_294 = tpu.memref_slice %arg8[%dma_wait3A_291, %dma_wait3A_292, %dma_wait3A_293] : memref<4x128x32xf32, #tpu.memory_space<vmem>> -> memref<1x128x32xf32, #tpu.memory_space<vmem>>
          %dma_wait3A_295 = tpu.memref_squeeze %dma_wait3A_294 : memref<1x128x32xf32, #tpu.memory_space<vmem>> -> memref<128x32xf32, #tpu.memory_space<vmem>>
          %dma_wait3A_296 = arith.constant 0 : i32
          %dma_wait3A_297 = arith.constant 0 : i32
          %dma_wait3A_298 = tpu.memref_slice %arg5[%dma_wait3A_296, %dma_wait3A_297] : memref<819200x32xf32, #tpu.memory_space<hbm>> -> memref<128x32xf32, #tpu.memory_space<hbm>>
          %dma_wait3A_299 = arith.constant 0 : i32
          %dma_wait3A_300 = arith.constant 0 : i32
          %dma_wait3A_301 = tpu.memref_slice %arg5[%dma_wait3A_299, %dma_wait3A_300] : memref<819200x32xf32, #tpu.memory_space<hbm>> -> memref<128x32xf32, #tpu.memory_space<hbm>>
          %dma_wait3A_302 = arith.constant 0 : i32
          %dma_wait3A_303 = arith.constant 0 : i32
          %dma_wait3A_304 = tpu.memref_slice %arg8[%dma_wait3A_291, %dma_wait3A_302, %dma_wait3A_303] : memref<4x128x32xf32, #tpu.memory_space<vmem>> -> memref<1x128x32xf32, #tpu.memory_space<vmem>>
          %dma_wait3A_305 = tpu.memref_squeeze %dma_wait3A_304 : memref<1x128x32xf32, #tpu.memory_space<vmem>> -> memref<128x32xf32, #tpu.memory_space<vmem>>
          tpu.wait_dma2 semaphore(%arg16 : memref<!tpu.dma_semaphore, #tpu.memory_space<semaphore_mem>>) src(%dma_wait3A_305 : memref<128x32xf32, #tpu.memory_space<vmem>>) dst(%dma_wait3A_301 : memref<128x32xf32, #tpu.memory_space<hbm>>)
        } else {
        }
        %add3A_278 = arith.constant 2 : i32
        %add3A_279 = arith.addi %add3A_137, %add3A_278 : i32
        %dma_start3A_280 = arith.constant 3 : i32
        %dma_start3A_281 = arith.constant 0 : i32
        %dma_start3A_282 = arith.constant 0 : i32
        %dma_start3A_283 = tpu.memref_slice %arg8[%dma_start3A_280, %dma_start3A_281, %dma_start3A_282] : memref<4x128x32xf32, #tpu.memory_space<vmem>> -> memref<1x128x32xf32, #tpu.memory_space<vmem>>
        %dma_start3A_284 = tpu.memref_squeeze %dma_start3A_283 : memref<1x128x32xf32, #tpu.memory_space<vmem>> -> memref<128x32xf32, #tpu.memory_space<vmem>>
        %dma_start3A_285 = arith.constant 0 : i32
        %dma_start3A_286 = tpu.memref_slice %arg6[%add3A_279, %dma_start3A_285] : memref<200x128xi32, #tpu.memory_space<vmem>> -> memref<1x128xi32, #tpu.memory_space<vmem>>
        %dma_start3A_287 = tpu.memref_squeeze %dma_start3A_286 : memref<1x128xi32, #tpu.memory_space<vmem>> -> memref<128xi32, #tpu.memory_space<vmem>>
        %dma_start3A_288 = arith.constant 0 : i32
        %dma_start3A_289 = arith.constant 0 : i32
        %dma_start3A_290 = tpu.memref_slice %arg3[%dma_start3A_288, %dma_start3A_289] : memref<1000000x32xf32, #tpu.memory_space<hbm>> -> memref<1000000x32xf32, #tpu.memory_space<hbm>>
        tpu.enqueue_indirect_dma source(%dma_start3A_290 : memref<1000000x32xf32, #tpu.memory_space<hbm>>) target(%dma_start3A_284 : memref<128x32xf32, #tpu.memory_space<vmem>>) offsets(%dma_start3A_287 : memref<128xi32, #tpu.memory_space<vmem>>) semaphore(%arg12 : memref<!tpu.dma_semaphore, #tpu.memory_space<semaphore_mem>>)
      } else {
      }
      %add3A_182 = arith.constant 2 : i32
      %add3A_183 = arith.addi %add3A_93, %add3A_182 : i32
      %dma_wait3A_184 = arith.constant 0 : i32
      %dma_wait3A_185 = arith.constant 2 : i32
      %dma_wait3A_186 = arith.constant 0 : i32
      %dma_wait3A_187 = arith.constant 0 : i32
      %dma_wait3A_188 = tpu.memref_slice %arg8[%dma_wait3A_185, %dma_wait3A_186, %dma_wait3A_187] : memref<4x128x32xf32, #tpu.memory_space<vmem>> -> memref<1x128x32xf32, #tpu.memory_space<vmem>>
      %dma_wait3A_189 = tpu.memref_squeeze %dma_wait3A_188 : memref<1x128x32xf32, #tpu.memory_space<vmem>> -> memref<128x32xf32, #tpu.memory_space<vmem>>
      %dma_wait3A_190 = arith.constant 0 : i32
      %dma_wait3A_191 = tpu.memref_slice %arg6[%dma_wait3A_184, %dma_wait3A_190] : memref<200x128xi32, #tpu.memory_space<vmem>> -> memref<1x128xi32, #tpu.memory_space<vmem>>
      %dma_wait3A_192 = tpu.memref_squeeze %dma_wait3A_191 : memref<1x128xi32, #tpu.memory_space<vmem>> -> memref<128xi32, #tpu.memory_space<vmem>>
      %dma_wait3A_193 = arith.constant 0 : i32
      %dma_wait3A_194 = arith.constant 0 : i32
      %dma_wait3A_195 = tpu.memref_slice %arg3[%dma_wait3A_193, %dma_wait3A_194] : memref<1000000x32xf32, #tpu.memory_space<hbm>> -> memref<1000000x32xf32, #tpu.memory_space<hbm>>
      tpu.wait_indirect_dma semaphore(%arg11 : memref<!tpu.dma_semaphore, #tpu.memory_space<semaphore_mem>>) src(%dma_wait3A_195 : memref<1000000x32xf32, #tpu.memory_space<hbm>>) dst(%dma_wait3A_189 : memref<128x32xf32, #tpu.memory_space<vmem>>)
      %mul3A_196 = arith.constant 128 : i32
      %mul3A_197 = arith.muli %add3A_183, %mul3A_196 : i32
      %rem3A_198 = arith.constant 200 : i32
      %rem3A_199 = arith.remsi %mul3A_197, %rem3A_198 : i32
      %scan3A_200 = arith.constant 0 : i32
      %scan3A_201 = arith.constant 128 : i32
      %scan3A_202 = arith.addi %scan3A_200, %scan3A_201 : i32
      %scan3A_203 = arith.constant 8 : i32
      scf.for %scan3A_274 = %scan3A_200 to %scan3A_202 step %scan3A_203  : i32 {
        %mul3A_275 = arith.constant 1 : i32
        %mul3A_276 = arith.muli %scan3A_274, %mul3A_275 : i32
        %add3A_277 = arith.constant 0 : i32
        %add3A_278 = arith.addi %add3A_277, %mul3A_276 : i32
        %add3A_279 = arith.addi %rem3A_199, %add3A_278 : i32
        %get3A = arith.index_cast %add3A_279 : i32 to index
        %get3A_280 = arith.constant 0 : index
        %get3A_281 = tpu.vector_load %arg7[%get3A, %get3A_280] {strides = array<i32>} : memref<400x32xf32, #tpu.memory_space<vmem>>, vector<1x16xf32>,
        %get3A_282 = vector.shape_cast %get3A_281 : vector<1x16xf32> to vector<16xf32>
        %swap3A = arith.constant 2 : i32
        %swap3A_283 = arith.index_cast %swap3A : i32 to index
        %swap3A_284 = arith.index_cast %add3A_278 : i32 to index
        %swap3A_285 = arith.constant 0 : index
        %swap3A_286 = tpu.vector_load %arg8[%swap3A_283, %swap3A_284, %swap3A_285] {strides = array<i32>} : memref<4x128x32xf32, #tpu.memory_space<vmem>>, vector<1x1x16xf32>,
        %swap3A_287 = vector.shape_cast %swap3A_286 : vector<1x1x16xf32> to vector<16xf32>
        %swap3A_288 = vector.shape_cast %get3A_282 : vector<16xf32> to vector<1x1x16xf32>
        tpu.vector_store %arg8[%swap3A_283, %swap3A_284, %swap3A_285], %swap3A_288 {add = true, strides = array<i32>} : memref<4x128x32xf32, #tpu.memory_space<vmem>>, vector<1x1x16xf32>,
        %get3A_289 = arith.index_cast %add3A_279 : i32 to index
        %get3A_290 = arith.constant 16 : index
        %get3A_291 = tpu.vector_load %arg7[%get3A_289, %get3A_290] {strides = array<i32>} : memref<400x32xf32, #tpu.memory_space<vmem>>, vector<1x16xf32>,
        %get3A_292 = vector.shape_cast %get3A_291 : vector<1x16xf32> to vector<16xf32>
        %swap3A_293 = arith.constant 2 : i32
        %swap3A_294 = arith.index_cast %swap3A_293 : i32 to index
        %swap3A_295 = arith.index_cast %add3A_278 : i32 to index
        %swap3A_296 = arith.constant 16 : index
        %swap3A_297 = tpu.vector_load %arg8[%swap3A_294, %swap3A_295, %swap3A_296] {strides = array<i32>} : memref<4x128x32xf32, #tpu.memory_space<vmem>>, vector<1x1x16xf32>,
        %swap3A_298 = vector.shape_cast %swap3A_297 : vector<1x1x16xf32> to vector<16xf32>
        %swap3A_299 = vector.shape_cast %get3A_292 : vector<16xf32> to vector<1x1x16xf32>
        tpu.vector_store %arg8[%swap3A_294, %swap3A_295, %swap3A_296], %swap3A_299 {add = true, strides = array<i32>} : memref<4x128x32xf32, #tpu.memory_space<vmem>>, vector<1x1x16xf32>,
        %scan3A_300 = arith.constant 1 : i32
        %scan3A_301 = arith.addi %scan3A_274, %scan3A_300 : i32
        %mul3A_302 = arith.constant 1 : i32
        %mul3A_303 = arith.muli %scan3A_301, %mul3A_302 : i32
        %add3A_304 = arith.constant 0 : i32
        %add3A_305 = arith.addi %add3A_304, %mul3A_303 : i32
        %add3A_306 = arith.addi %rem3A_199, %add3A_305 : i32
        %get3A_307 = arith.index_cast %add3A_306 : i32 to index
        %get3A_308 = arith.constant 0 : index
        %get3A_309 = tpu.vector_load %arg7[%get3A_307, %get3A_308] {strides = array<i32>} : memref<400x32xf32, #tpu.memory_space<vmem>>, vector<1x16xf32>,
        %get3A_310 = vector.shape_cast %get3A_309 : vector<1x16xf32> to vector<16xf32>
        %swap3A_311 = arith.constant 2 : i32
        %swap3A_312 = arith.index_cast %swap3A_311 : i32 to index
        %swap3A_313 = arith.index_cast %add3A_305 : i32 to index
        %swap3A_314 = arith.constant 0 : index
        %swap3A_315 = tpu.vector_load %arg8[%swap3A_312, %swap3A_313, %swap3A_314] {strides = array<i32>} : memref<4x128x32xf32, #tpu.memory_space<vmem>>, vector<1x1x16xf32>,
        %swap3A_316 = vector.shape_cast %swap3A_315 : vector<1x1x16xf32> to vector<16xf32>
        %swap3A_317 = vector.shape_cast %get3A_310 : vector<16xf32> to vector<1x1x16xf32>
        tpu.vector_store %arg8[%swap3A_312, %swap3A_313, %swap3A_314], %swap3A_317 {add = true, strides = array<i32>} : memref<4x128x32xf32, #tpu.memory_space<vmem>>, vector<1x1x16xf32>,
        %get3A_318 = arith.index_cast %add3A_306 : i32 to index
        %get3A_319 = arith.constant 16 : index
        %get3A_320 = tpu.vector_load %arg7[%get3A_318, %get3A_319] {strides = array<i32>} : memref<400x32xf32, #tpu.memory_space<vmem>>, vector<1x16xf32>,
        %get3A_321 = vector.shape_cast %get3A_320 : vector<1x16xf32> to vector<16xf32>
        %swap3A_322 = arith.constant 2 : i32
        %swap3A_323 = arith.index_cast %swap3A_322 : i32 to index
        %swap3A_324 = arith.index_cast %add3A_305 : i32 to index
        %swap3A_325 = arith.constant 16 : index
        %swap3A_326 = tpu.vector_load %arg8[%swap3A_323, %swap3A_324, %swap3A_325] {strides = array<i32>} : memref<4x128x32xf32, #tpu.memory_space<vmem>>, vector<1x1x16xf32>,
        %swap3A_327 = vector.shape_cast %swap3A_326 : vector<1x1x16xf32> to vector<16xf32>
        %swap3A_328 = vector.shape_cast %get3A_321 : vector<16xf32> to vector<1x1x16xf32>
        tpu.vector_store %arg8[%swap3A_323, %swap3A_324, %swap3A_325], %swap3A_328 {add = true, strides = array<i32>} : memref<4x128x32xf32, #tpu.memory_space<vmem>>, vector<1x1x16xf32>,
        %scan3A_329 = arith.constant 2 : i32
        %scan3A_330 = arith.addi %scan3A_274, %scan3A_329 : i32
        %mul3A_331 = arith.constant 1 : i32
        %mul3A_332 = arith.muli %scan3A_330, %mul3A_331 : i32
        %add3A_333 = arith.constant 0 : i32
        %add3A_334 = arith.addi %add3A_333, %mul3A_332 : i32
        %add3A_335 = arith.addi %rem3A_199, %add3A_334 : i32
        %get3A_336 = arith.index_cast %add3A_335 : i32 to index
        %get3A_337 = arith.constant 0 : index
        %get3A_338 = tpu.vector_load %arg7[%get3A_336, %get3A_337] {strides = array<i32>} : memref<400x32xf32, #tpu.memory_space<vmem>>, vector<1x16xf32>,
        %get3A_339 = vector.shape_cast %get3A_338 : vector<1x16xf32> to vector<16xf32>
        %swap3A_340 = arith.constant 2 : i32
        %swap3A_341 = arith.index_cast %swap3A_340 : i32 to index
        %swap3A_342 = arith.index_cast %add3A_334 : i32 to index
        %swap3A_343 = arith.constant 0 : index
        %swap3A_344 = tpu.vector_load %arg8[%swap3A_341, %swap3A_342, %swap3A_343] {strides = array<i32>} : memref<4x128x32xf32, #tpu.memory_space<vmem>>, vector<1x1x16xf32>,
        %swap3A_345 = vector.shape_cast %swap3A_344 : vector<1x1x16xf32> to vector<16xf32>
        %swap3A_346 = vector.shape_cast %get3A_339 : vector<16xf32> to vector<1x1x16xf32>
        tpu.vector_store %arg8[%swap3A_341, %swap3A_342, %swap3A_343], %swap3A_346 {add = true, strides = array<i32>} : memref<4x128x32xf32, #tpu.memory_space<vmem>>, vector<1x1x16xf32>,
        %get3A_347 = arith.index_cast %add3A_335 : i32 to index
        %get3A_348 = arith.constant 16 : index
        %get3A_349 = tpu.vector_load %arg7[%get3A_347, %get3A_348] {strides = array<i32>} : memref<400x32xf32, #tpu.memory_space<vmem>>, vector<1x16xf32>,
        %get3A_350 = vector.shape_cast %get3A_349 : vector<1x16xf32> to vector<16xf32>
        %swap3A_351 = arith.constant 2 : i32
        %swap3A_352 = arith.index_cast %swap3A_351 : i32 to index
        %swap3A_353 = arith.index_cast %add3A_334 : i32 to index
        %swap3A_354 = arith.constant 16 : index
        %swap3A_355 = tpu.vector_load %arg8[%swap3A_352, %swap3A_353, %swap3A_354] {strides = array<i32>} : memref<4x128x32xf32, #tpu.memory_space<vmem>>, vector<1x1x16xf32>,
        %swap3A_356 = vector.shape_cast %swap3A_355 : vector<1x1x16xf32> to vector<16xf32>
        %swap3A_357 = vector.shape_cast %get3A_350 : vector<16xf32> to vector<1x1x16xf32>
        tpu.vector_store %arg8[%swap3A_352, %swap3A_353, %swap3A_354], %swap3A_357 {add = true, strides = array<i32>} : memref<4x128x32xf32, #tpu.memory_space<vmem>>, vector<1x1x16xf32>,
        %scan3A_358 = arith.constant 3 : i32
        %scan3A_359 = arith.addi %scan3A_274, %scan3A_358 : i32
        %mul3A_360 = arith.constant 1 : i32
        %mul3A_361 = arith.muli %scan3A_359, %mul3A_360 : i32
        %add3A_362 = arith.constant 0 : i32
        %add3A_363 = arith.addi %add3A_362, %mul3A_361 : i32
        %add3A_364 = arith.addi %rem3A_199, %add3A_363 : i32
        %get3A_365 = arith.index_cast %add3A_364 : i32 to index
        %get3A_366 = arith.constant 0 : index
        %get3A_367 = tpu.vector_load %arg7[%get3A_365, %get3A_366] {strides = array<i32>} : memref<400x32xf32, #tpu.memory_space<vmem>>, vector<1x16xf32>,
        %get3A_368 = vector.shape_cast %get3A_367 : vector<1x16xf32> to vector<16xf32>
        %swap3A_369 = arith.constant 2 : i32
        %swap3A_370 = arith.index_cast %swap3A_369 : i32 to index
        %swap3A_371 = arith.index_cast %add3A_363 : i32 to index
        %swap3A_372 = arith.constant 0 : index
        %swap3A_373 = tpu.vector_load %arg8[%swap3A_370, %swap3A_371, %swap3A_372] {strides = array<i32>} : memref<4x128x32xf32, #tpu.memory_space<vmem>>, vector<1x1x16xf32>,
        %swap3A_374 = vector.shape_cast %swap3A_373 : vector<1x1x16xf32> to vector<16xf32>
        %swap3A_375 = vector.shape_cast %get3A_368 : vector<16xf32> to vector<1x1x16xf32>
        tpu.vector_store %arg8[%swap3A_370, %swap3A_371, %swap3A_372], %swap3A_375 {add = true, strides = array<i32>} : memref<4x128x32xf32, #tpu.memory_space<vmem>>, vector<1x1x16xf32>,
        %get3A_376 = arith.index_cast %add3A_364 : i32 to index
        %get3A_377 = arith.constant 16 : index
        %get3A_378 = tpu.vector_load %arg7[%get3A_376, %get3A_377] {strides = array<i32>} : memref<400x32xf32, #tpu.memory_space<vmem>>, vector<1x16xf32>,
        %get3A_379 = vector.shape_cast %get3A_378 : vector<1x16xf32> to vector<16xf32>
        %swap3A_380 = arith.constant 2 : i32
        %swap3A_381 = arith.index_cast %swap3A_380 : i32 to index
        %swap3A_382 = arith.index_cast %add3A_363 : i32 to index
        %swap3A_383 = arith.constant 16 : index
        %swap3A_384 = tpu.vector_load %arg8[%swap3A_381, %swap3A_382, %swap3A_383] {strides = array<i32>} : memref<4x128x32xf32, #tpu.memory_space<vmem>>, vector<1x1x16xf32>,
        %swap3A_385 = vector.shape_cast %swap3A_384 : vector<1x1x16xf32> to vector<16xf32>
        %swap3A_386 = vector.shape_cast %get3A_379 : vector<16xf32> to vector<1x1x16xf32>
        tpu.vector_store %arg8[%swap3A_381, %swap3A_382, %swap3A_383], %swap3A_386 {add = true, strides = array<i32>} : memref<4x128x32xf32, #tpu.memory_space<vmem>>, vector<1x1x16xf32>,
        %scan3A_387 = arith.constant 4 : i32
        %scan3A_388 = arith.addi %scan3A_274, %scan3A_387 : i32
        %mul3A_389 = arith.constant 1 : i32
        %mul3A_390 = arith.muli %scan3A_388, %mul3A_389 : i32
        %add3A_391 = arith.constant 0 : i32
        %add3A_392 = arith.addi %add3A_391, %mul3A_390 : i32
        %add3A_393 = arith.addi %rem3A_199, %add3A_392 : i32
        %get3A_394 = arith.index_cast %add3A_393 : i32 to index
        %get3A_395 = arith.constant 0 : index
        %get3A_396 = tpu.vector_load %arg7[%get3A_394, %get3A_395] {strides = array<i32>} : memref<400x32xf32, #tpu.memory_space<vmem>>, vector<1x16xf32>,
        %get3A_397 = vector.shape_cast %get3A_396 : vector<1x16xf32> to vector<16xf32>
        %swap3A_398 = arith.constant 2 : i32
        %swap3A_399 = arith.index_cast %swap3A_398 : i32 to index
        %swap3A_400 = arith.index_cast %add3A_392 : i32 to index
        %swap3A_401 = arith.constant 0 : index
        %swap3A_402 = tpu.vector_load %arg8[%swap3A_399, %swap3A_400, %swap3A_401] {strides = array<i32>} : memref<4x128x32xf32, #tpu.memory_space<vmem>>, vector<1x1x16xf32>,
        %swap3A_403 = vector.shape_cast %swap3A_402 : vector<1x1x16xf32> to vector<16xf32>
        %swap3A_404 = vector.shape_cast %get3A_397 : vector<16xf32> to vector<1x1x16xf32>
        tpu.vector_store %arg8[%swap3A_399, %swap3A_400, %swap3A_401], %swap3A_404 {add = true, strides = array<i32>} : memref<4x128x32xf32, #tpu.memory_space<vmem>>, vector<1x1x16xf32>,
        %get3A_405 = arith.index_cast %add3A_393 : i32 to index
        %get3A_406 = arith.constant 16 : index
        %get3A_407 = tpu.vector_load %arg7[%get3A_405, %get3A_406] {strides = array<i32>} : memref<400x32xf32, #tpu.memory_space<vmem>>, vector<1x16xf32>,
        %get3A_408 = vector.shape_cast %get3A_407 : vector<1x16xf32> to vector<16xf32>
        %swap3A_409 = arith.constant 2 : i32
        %swap3A_410 = arith.index_cast %swap3A_409 : i32 to index
        %swap3A_411 = arith.index_cast %add3A_392 : i32 to index
        %swap3A_412 = arith.constant 16 : index
        %swap3A_413 = tpu.vector_load %arg8[%swap3A_410, %swap3A_411, %swap3A_412] {strides = array<i32>} : memref<4x128x32xf32, #tpu.memory_space<vmem>>, vector<1x1x16xf32>,
        %swap3A_414 = vector.shape_cast %swap3A_413 : vector<1x1x16xf32> to vector<16xf32>
        %swap3A_415 = vector.shape_cast %get3A_408 : vector<16xf32> to vector<1x1x16xf32>
        tpu.vector_store %arg8[%swap3A_410, %swap3A_411, %swap3A_412], %swap3A_415 {add = true, strides = array<i32>} : memref<4x128x32xf32, #tpu.memory_space<vmem>>, vector<1x1x16xf32>,
        %scan3A_416 = arith.constant 5 : i32
        %scan3A_417 = arith.addi %scan3A_274, %scan3A_416 : i32
        %mul3A_418 = arith.constant 1 : i32
        %mul3A_419 = arith.muli %scan3A_417, %mul3A_418 : i32
        %add3A_420 = arith.constant 0 : i32
        %add3A_421 = arith.addi %add3A_420, %mul3A_419 : i32
        %add3A_422 = arith.addi %rem3A_199, %add3A_421 : i32
        %get3A_423 = arith.index_cast %add3A_422 : i32 to index
        %get3A_424 = arith.constant 0 : index
        %get3A_425 = tpu.vector_load %arg7[%get3A_423, %get3A_424] {strides = array<i32>} : memref<400x32xf32, #tpu.memory_space<vmem>>, vector<1x16xf32>,
        %get3A_426 = vector.shape_cast %get3A_425 : vector<1x16xf32> to vector<16xf32>
        %swap3A_427 = arith.constant 2 : i32
        %swap3A_428 = arith.index_cast %swap3A_427 : i32 to index
        %swap3A_429 = arith.index_cast %add3A_421 : i32 to index
        %swap3A_430 = arith.constant 0 : index
        %swap3A_431 = tpu.vector_load %arg8[%swap3A_428, %swap3A_429, %swap3A_430] {strides = array<i32>} : memref<4x128x32xf32, #tpu.memory_space<vmem>>, vector<1x1x16xf32>,
        %swap3A_432 = vector.shape_cast %swap3A_431 : vector<1x1x16xf32> to vector<16xf32>
        %swap3A_433 = vector.shape_cast %get3A_426 : vector<16xf32> to vector<1x1x16xf32>
        tpu.vector_store %arg8[%swap3A_428, %swap3A_429, %swap3A_430], %swap3A_433 {add = true, strides = array<i32>} : memref<4x128x32xf32, #tpu.memory_space<vmem>>, vector<1x1x16xf32>,
        %get3A_434 = arith.index_cast %add3A_422 : i32 to index
        %get3A_435 = arith.constant 16 : index
        %get3A_436 = tpu.vector_load %arg7[%get3A_434, %get3A_435] {strides = array<i32>} : memref<400x32xf32, #tpu.memory_space<vmem>>, vector<1x16xf32>,
        %get3A_437 = vector.shape_cast %get3A_436 : vector<1x16xf32> to vector<16xf32>
        %swap3A_438 = arith.constant 2 : i32
        %swap3A_439 = arith.index_cast %swap3A_438 : i32 to index
        %swap3A_440 = arith.index_cast %add3A_421 : i32 to index
        %swap3A_441 = arith.constant 16 : index
        %swap3A_442 = tpu.vector_load %arg8[%swap3A_439, %swap3A_440, %swap3A_441] {strides = array<i32>} : memref<4x128x32xf32, #tpu.memory_space<vmem>>, vector<1x1x16xf32>,
        %swap3A_443 = vector.shape_cast %swap3A_442 : vector<1x1x16xf32> to vector<16xf32>
        %swap3A_444 = vector.shape_cast %get3A_437 : vector<16xf32> to vector<1x1x16xf32>
        tpu.vector_store %arg8[%swap3A_439, %swap3A_440, %swap3A_441], %swap3A_444 {add = true, strides = array<i32>} : memref<4x128x32xf32, #tpu.memory_space<vmem>>, vector<1x1x16xf32>,
        %scan3A_445 = arith.constant 6 : i32
        %scan3A_446 = arith.addi %scan3A_274, %scan3A_445 : i32
        %mul3A_447 = arith.constant 1 : i32
        %mul3A_448 = arith.muli %scan3A_446, %mul3A_447 : i32
        %add3A_449 = arith.constant 0 : i32
        %add3A_450 = arith.addi %add3A_449, %mul3A_448 : i32
        %add3A_451 = arith.addi %rem3A_199, %add3A_450 : i32
        %get3A_452 = arith.index_cast %add3A_451 : i32 to index
        %get3A_453 = arith.constant 0 : index
        %get3A_454 = tpu.vector_load %arg7[%get3A_452, %get3A_453] {strides = array<i32>} : memref<400x32xf32, #tpu.memory_space<vmem>>, vector<1x16xf32>,
        %get3A_455 = vector.shape_cast %get3A_454 : vector<1x16xf32> to vector<16xf32>
        %swap3A_456 = arith.constant 2 : i32
        %swap3A_457 = arith.index_cast %swap3A_456 : i32 to index
        %swap3A_458 = arith.index_cast %add3A_450 : i32 to index
        %swap3A_459 = arith.constant 0 : index
        %swap3A_460 = tpu.vector_load %arg8[%swap3A_457, %swap3A_458, %swap3A_459] {strides = array<i32>} : memref<4x128x32xf32, #tpu.memory_space<vmem>>, vector<1x1x16xf32>,
        %swap3A_461 = vector.shape_cast %swap3A_460 : vector<1x1x16xf32> to vector<16xf32>
        %swap3A_462 = vector.shape_cast %get3A_455 : vector<16xf32> to vector<1x1x16xf32>
        tpu.vector_store %arg8[%swap3A_457, %swap3A_458, %swap3A_459], %swap3A_462 {add = true, strides = array<i32>} : memref<4x128x32xf32, #tpu.memory_space<vmem>>, vector<1x1x16xf32>,
        %get3A_463 = arith.index_cast %add3A_451 : i32 to index
        %get3A_464 = arith.constant 16 : index
        %get3A_465 = tpu.vector_load %arg7[%get3A_463, %get3A_464] {strides = array<i32>} : memref<400x32xf32, #tpu.memory_space<vmem>>, vector<1x16xf32>,
        %get3A_466 = vector.shape_cast %get3A_465 : vector<1x16xf32> to vector<16xf32>
        %swap3A_467 = arith.constant 2 : i32
        %swap3A_468 = arith.index_cast %swap3A_467 : i32 to index
        %swap3A_469 = arith.index_cast %add3A_450 : i32 to index
        %swap3A_470 = arith.constant 16 : index
        %swap3A_471 = tpu.vector_load %arg8[%swap3A_468, %swap3A_469, %swap3A_470] {strides = array<i32>} : memref<4x128x32xf32, #tpu.memory_space<vmem>>, vector<1x1x16xf32>,
        %swap3A_472 = vector.shape_cast %swap3A_471 : vector<1x1x16xf32> to vector<16xf32>
        %swap3A_473 = vector.shape_cast %get3A_466 : vector<16xf32> to vector<1x1x16xf32>
        tpu.vector_store %arg8[%swap3A_468, %swap3A_469, %swap3A_470], %swap3A_473 {add = true, strides = array<i32>} : memref<4x128x32xf32, #tpu.memory_space<vmem>>, vector<1x1x16xf32>,
        %scan3A_474 = arith.constant 7 : i32
        %scan3A_475 = arith.addi %scan3A_274, %scan3A_474 : i32
        %mul3A_476 = arith.constant 1 : i32
        %mul3A_477 = arith.muli %scan3A_475, %mul3A_476 : i32
        %add3A_478 = arith.constant 0 : i32
        %add3A_479 = arith.addi %add3A_478, %mul3A_477 : i32
        %add3A_480 = arith.addi %rem3A_199, %add3A_479 : i32
        %get3A_481 = arith.index_cast %add3A_480 : i32 to index
        %get3A_482 = arith.constant 0 : index
        %get3A_483 = tpu.vector_load %arg7[%get3A_481, %get3A_482] {strides = array<i32>} : memref<400x32xf32, #tpu.memory_space<vmem>>, vector<1x16xf32>,
        %get3A_484 = vector.shape_cast %get3A_483 : vector<1x16xf32> to vector<16xf32>
        %swap3A_485 = arith.constant 2 : i32
        %swap3A_486 = arith.index_cast %swap3A_485 : i32 to index
        %swap3A_487 = arith.index_cast %add3A_479 : i32 to index
        %swap3A_488 = arith.constant 0 : index
        %swap3A_489 = tpu.vector_load %arg8[%swap3A_486, %swap3A_487, %swap3A_488] {strides = array<i32>} : memref<4x128x32xf32, #tpu.memory_space<vmem>>, vector<1x1x16xf32>,
        %swap3A_490 = vector.shape_cast %swap3A_489 : vector<1x1x16xf32> to vector<16xf32>
        %swap3A_491 = vector.shape_cast %get3A_484 : vector<16xf32> to vector<1x1x16xf32>
        tpu.vector_store %arg8[%swap3A_486, %swap3A_487, %swap3A_488], %swap3A_491 {add = true, strides = array<i32>} : memref<4x128x32xf32, #tpu.memory_space<vmem>>, vector<1x1x16xf32>,
        %get3A_492 = arith.index_cast %add3A_480 : i32 to index
        %get3A_493 = arith.constant 16 : index
        %get3A_494 = tpu.vector_load %arg7[%get3A_492, %get3A_493] {strides = array<i32>} : memref<400x32xf32, #tpu.memory_space<vmem>>, vector<1x16xf32>,
        %get3A_495 = vector.shape_cast %get3A_494 : vector<1x16xf32> to vector<16xf32>
        %swap3A_496 = arith.constant 2 : i32
        %swap3A_497 = arith.index_cast %swap3A_496 : i32 to index
        %swap3A_498 = arith.index_cast %add3A_479 : i32 to index
        %swap3A_499 = arith.constant 16 : index
        %swap3A_500 = tpu.vector_load %arg8[%swap3A_497, %swap3A_498, %swap3A_499] {strides = array<i32>} : memref<4x128x32xf32, #tpu.memory_space<vmem>>, vector<1x1x16xf32>,
        %swap3A_501 = vector.shape_cast %swap3A_500 : vector<1x1x16xf32> to vector<16xf32>
        %swap3A_502 = vector.shape_cast %get3A_495 : vector<16xf32> to vector<1x1x16xf32>
        tpu.vector_store %arg8[%swap3A_497, %swap3A_498, %swap3A_499], %swap3A_502 {add = true, strides = array<i32>} : memref<4x128x32xf32, #tpu.memory_space<vmem>>, vector<1x1x16xf32>,
      }
      %scan3A_204 = arith.constant 128 : i32
      %add3A_205 = arith.addi %mul3A_2, %add3A_183 : i32
      %mul3A_206 = arith.constant 128 : i32
      %mul3A_207 = arith.muli %add3A_205, %mul3A_206 : i32
      %dma_start3A_208 = arith.constant 2 : i32
      %dma_start3A_209 = arith.constant 0 : i32
      %dma_start3A_210 = arith.constant 0 : i32
      %dma_start3A_211 = tpu.memref_slice %arg8[%dma_start3A_208, %dma_start3A_209, %dma_start3A_210] : memref<4x128x32xf32, #tpu.memory_space<vmem>> -> memref<1x128x32xf32, #tpu.memory_space<vmem>>
      %dma_start3A_212 = tpu.memref_squeeze %dma_start3A_211 : memref<1x128x32xf32, #tpu.memory_space<vmem>> -> memref<128x32xf32, #tpu.memory_space<vmem>>
      %dma_start3A_213 = arith.constant 0 : i32
      %dma_start3A_214 = tpu.memref_slice %arg5[%mul3A_207, %dma_start3A_213] : memref<819200x32xf32, #tpu.memory_space<hbm>> -> memref<128x32xf32, #tpu.memory_space<hbm>>
      %dma_start3A_215 = arith.constant 0 : i32
      %dma_start3A_216 = tpu.memref_slice %arg5[%mul3A_207, %dma_start3A_215] : memref<819200x32xf32, #tpu.memory_space<hbm>> -> memref<128x32xf32, #tpu.memory_space<hbm>>
      %dma_start3A_217 = arith.constant 0 : i32
      %dma_start3A_218 = arith.constant 0 : i32
      %dma_start3A_219 = tpu.memref_slice %arg8[%dma_start3A_208, %dma_start3A_217, %dma_start3A_218] : memref<4x128x32xf32, #tpu.memory_space<vmem>> -> memref<1x128x32xf32, #tpu.memory_space<vmem>>
      %dma_start3A_220 = tpu.memref_squeeze %dma_start3A_219 : memref<1x128x32xf32, #tpu.memory_space<vmem>> -> memref<128x32xf32, #tpu.memory_space<vmem>>
      tpu.enqueue_dma source(%dma_start3A_220 : memref<128x32xf32, #tpu.memory_space<vmem>>) target(%dma_start3A_216 : memref<128x32xf32, #tpu.memory_space<hbm>>) target_semaphore(%arg15 : memref<!tpu.dma_semaphore, #tpu.memory_space<semaphore_mem>>)
      %add3A_221 = arith.constant 2 : i32
      %add3A_222 = arith.addi %add3A_183, %add3A_221 : i32
      %lt3A_223 = arith.constant 200 : i32
      %lt3A_224 = arith.cmpi slt, %add3A_222, %lt3A_223 : i32
      %convert_element_type3A_225 = arith.extui %lt3A_224 : i1 to i32
      %cond3A_226 = arith.constant 0 : i32
      %cond3A_227 = arith.cmpi ne, %convert_element_type3A_225, %cond3A_226 : i32
      scf.if %cond3A_227 {
        %ge3A = arith.constant 2 : i32
        %ge3A_274 = arith.cmpi sge, %add3A_183, %ge3A : i32
        %convert_element_type3A_275 = arith.extui %ge3A_274 : i1 to i32
        %cond3A_276 = arith.constant 0 : i32
        %cond3A_277 = arith.cmpi ne, %convert_element_type3A_275, %cond3A_276 : i32
        scf.if %cond3A_277 {
          %dma_wait3A_291 = arith.constant 0 : i32
          %dma_wait3A_292 = arith.constant 0 : i32
          %dma_wait3A_293 = arith.constant 0 : i32
          %dma_wait3A_294 = tpu.memref_slice %arg8[%dma_wait3A_291, %dma_wait3A_292, %dma_wait3A_293] : memref<4x128x32xf32, #tpu.memory_space<vmem>> -> memref<1x128x32xf32, #tpu.memory_space<vmem>>
          %dma_wait3A_295 = tpu.memref_squeeze %dma_wait3A_294 : memref<1x128x32xf32, #tpu.memory_space<vmem>> -> memref<128x32xf32, #tpu.memory_space<vmem>>
          %dma_wait3A_296 = arith.constant 0 : i32
          %dma_wait3A_297 = arith.constant 0 : i32
          %dma_wait3A_298 = tpu.memref_slice %arg5[%dma_wait3A_296, %dma_wait3A_297] : memref<819200x32xf32, #tpu.memory_space<hbm>> -> memref<128x32xf32, #tpu.memory_space<hbm>>
          %dma_wait3A_299 = arith.constant 0 : i32
          %dma_wait3A_300 = arith.constant 0 : i32
          %dma_wait3A_301 = tpu.memref_slice %arg5[%dma_wait3A_299, %dma_wait3A_300] : memref<819200x32xf32, #tpu.memory_space<hbm>> -> memref<128x32xf32, #tpu.memory_space<hbm>>
          %dma_wait3A_302 = arith.constant 0 : i32
          %dma_wait3A_303 = arith.constant 0 : i32
          %dma_wait3A_304 = tpu.memref_slice %arg8[%dma_wait3A_291, %dma_wait3A_302, %dma_wait3A_303] : memref<4x128x32xf32, #tpu.memory_space<vmem>> -> memref<1x128x32xf32, #tpu.memory_space<vmem>>
          %dma_wait3A_305 = tpu.memref_squeeze %dma_wait3A_304 : memref<1x128x32xf32, #tpu.memory_space<vmem>> -> memref<128x32xf32, #tpu.memory_space<vmem>>
          tpu.wait_dma2 semaphore(%arg13 : memref<!tpu.dma_semaphore, #tpu.memory_space<semaphore_mem>>) src(%dma_wait3A_305 : memref<128x32xf32, #tpu.memory_space<vmem>>) dst(%dma_wait3A_301 : memref<128x32xf32, #tpu.memory_space<hbm>>)
        } else {
        }
        %add3A_278 = arith.constant 2 : i32
        %add3A_279 = arith.addi %add3A_183, %add3A_278 : i32
        %dma_start3A_280 = arith.constant 0 : i32
        %dma_start3A_281 = arith.constant 0 : i32
        %dma_start3A_282 = arith.constant 0 : i32
        %dma_start3A_283 = tpu.memref_slice %arg8[%dma_start3A_280, %dma_start3A_281, %dma_start3A_282] : memref<4x128x32xf32, #tpu.memory_space<vmem>> -> memref<1x128x32xf32, #tpu.memory_space<vmem>>
        %dma_start3A_284 = tpu.memref_squeeze %dma_start3A_283 : memref<1x128x32xf32, #tpu.memory_space<vmem>> -> memref<128x32xf32, #tpu.memory_space<vmem>>
        %dma_start3A_285 = arith.constant 0 : i32
        %dma_start3A_286 = tpu.memref_slice %arg6[%add3A_279, %dma_start3A_285] : memref<200x128xi32, #tpu.memory_space<vmem>> -> memref<1x128xi32, #tpu.memory_space<vmem>>
        %dma_start3A_287 = tpu.memref_squeeze %dma_start3A_286 : memref<1x128xi32, #tpu.memory_space<vmem>> -> memref<128xi32, #tpu.memory_space<vmem>>
        %dma_start3A_288 = arith.constant 0 : i32
        %dma_start3A_289 = arith.constant 0 : i32
        %dma_start3A_290 = tpu.memref_slice %arg3[%dma_start3A_288, %dma_start3A_289] : memref<1000000x32xf32, #tpu.memory_space<hbm>> -> memref<1000000x32xf32, #tpu.memory_space<hbm>>
        tpu.enqueue_indirect_dma source(%dma_start3A_290 : memref<1000000x32xf32, #tpu.memory_space<hbm>>) target(%dma_start3A_284 : memref<128x32xf32, #tpu.memory_space<vmem>>) offsets(%dma_start3A_287 : memref<128xi32, #tpu.memory_space<vmem>>) semaphore(%arg9 : memref<!tpu.dma_semaphore, #tpu.memory_space<semaphore_mem>>)
      } else {
      }
      %add3A_228 = arith.constant 3 : i32
      %add3A_229 = arith.addi %add3A_93, %add3A_228 : i32
      %dma_wait3A_230 = arith.constant 0 : i32
      %dma_wait3A_231 = arith.constant 3 : i32
      %dma_wait3A_232 = arith.constant 0 : i32
      %dma_wait3A_233 = arith.constant 0 : i32
      %dma_wait3A_234 = tpu.memref_slice %arg8[%dma_wait3A_231, %dma_wait3A_232, %dma_wait3A_233] : memref<4x128x32xf32, #tpu.memory_space<vmem>> -> memref<1x128x32xf32, #tpu.memory_space<vmem>>
      %dma_wait3A_235 = tpu.memref_squeeze %dma_wait3A_234 : memref<1x128x32xf32, #tpu.memory_space<vmem>> -> memref<128x32xf32, #tpu.memory_space<vmem>>
      %dma_wait3A_236 = arith.constant 0 : i32
      %dma_wait3A_237 = tpu.memref_slice %arg6[%dma_wait3A_230, %dma_wait3A_236] : memref<200x128xi32, #tpu.memory_space<vmem>> -> memref<1x128xi32, #tpu.memory_space<vmem>>
      %dma_wait3A_238 = tpu.memref_squeeze %dma_wait3A_237 : memref<1x128xi32, #tpu.memory_space<vmem>> -> memref<128xi32, #tpu.memory_space<vmem>>
      %dma_wait3A_239 = arith.constant 0 : i32
      %dma_wait3A_240 = arith.constant 0 : i32
      %dma_wait3A_241 = tpu.memref_slice %arg3[%dma_wait3A_239, %dma_wait3A_240] : memref<1000000x32xf32, #tpu.memory_space<hbm>> -> memref<1000000x32xf32, #tpu.memory_space<hbm>>
      tpu.wait_indirect_dma semaphore(%arg12 : memref<!tpu.dma_semaphore, #tpu.memory_space<semaphore_mem>>) src(%dma_wait3A_241 : memref<1000000x32xf32, #tpu.memory_space<hbm>>) dst(%dma_wait3A_235 : memref<128x32xf32, #tpu.memory_space<vmem>>)
      %mul3A_242 = arith.constant 128 : i32
      %mul3A_243 = arith.muli %add3A_229, %mul3A_242 : i32
      %rem3A_244 = arith.constant 200 : i32
      %rem3A_245 = arith.remsi %mul3A_243, %rem3A_244 : i32
      %scan3A_246 = arith.constant 0 : i32
      %scan3A_247 = arith.constant 128 : i32
      %scan3A_248 = arith.addi %scan3A_246, %scan3A_247 : i32
      %scan3A_249 = arith.constant 8 : i32
      scf.for %scan3A_274 = %scan3A_246 to %scan3A_248 step %scan3A_249  : i32 {
        %mul3A_275 = arith.constant 1 : i32
        %mul3A_276 = arith.muli %scan3A_274, %mul3A_275 : i32
        %add3A_277 = arith.constant 0 : i32
        %add3A_278 = arith.addi %add3A_277, %mul3A_276 : i32
        %add3A_279 = arith.addi %rem3A_245, %add3A_278 : i32
        %get3A = arith.index_cast %add3A_279 : i32 to index
        %get3A_280 = arith.constant 0 : index
        %get3A_281 = tpu.vector_load %arg7[%get3A, %get3A_280] {strides = array<i32>} : memref<400x32xf32, #tpu.memory_space<vmem>>, vector<1x16xf32>,
        %get3A_282 = vector.shape_cast %get3A_281 : vector<1x16xf32> to vector<16xf32>
        %swap3A = arith.constant 3 : i32
        %swap3A_283 = arith.index_cast %swap3A : i32 to index
        %swap3A_284 = arith.index_cast %add3A_278 : i32 to index
        %swap3A_285 = arith.constant 0 : index
        %swap3A_286 = tpu.vector_load %arg8[%swap3A_283, %swap3A_284, %swap3A_285] {strides = array<i32>} : memref<4x128x32xf32, #tpu.memory_space<vmem>>, vector<1x1x16xf32>,
        %swap3A_287 = vector.shape_cast %swap3A_286 : vector<1x1x16xf32> to vector<16xf32>
        %swap3A_288 = vector.shape_cast %get3A_282 : vector<16xf32> to vector<1x1x16xf32>
        tpu.vector_store %arg8[%swap3A_283, %swap3A_284, %swap3A_285], %swap3A_288 {add = true, strides = array<i32>} : memref<4x128x32xf32, #tpu.memory_space<vmem>>, vector<1x1x16xf32>,
        %get3A_289 = arith.index_cast %add3A_279 : i32 to index
        %get3A_290 = arith.constant 16 : index
        %get3A_291 = tpu.vector_load %arg7[%get3A_289, %get3A_290] {strides = array<i32>} : memref<400x32xf32, #tpu.memory_space<vmem>>, vector<1x16xf32>,
        %get3A_292 = vector.shape_cast %get3A_291 : vector<1x16xf32> to vector<16xf32>
        %swap3A_293 = arith.constant 3 : i32
        %swap3A_294 = arith.index_cast %swap3A_293 : i32 to index
        %swap3A_295 = arith.index_cast %add3A_278 : i32 to index
        %swap3A_296 = arith.constant 16 : index
        %swap3A_297 = tpu.vector_load %arg8[%swap3A_294, %swap3A_295, %swap3A_296] {strides = array<i32>} : memref<4x128x32xf32, #tpu.memory_space<vmem>>, vector<1x1x16xf32>,
        %swap3A_298 = vector.shape_cast %swap3A_297 : vector<1x1x16xf32> to vector<16xf32>
        %swap3A_299 = vector.shape_cast %get3A_292 : vector<16xf32> to vector<1x1x16xf32>
        tpu.vector_store %arg8[%swap3A_294, %swap3A_295, %swap3A_296], %swap3A_299 {add = true, strides = array<i32>} : memref<4x128x32xf32, #tpu.memory_space<vmem>>, vector<1x1x16xf32>,
        %scan3A_300 = arith.constant 1 : i32
        %scan3A_301 = arith.addi %scan3A_274, %scan3A_300 : i32
        %mul3A_302 = arith.constant 1 : i32
        %mul3A_303 = arith.muli %scan3A_301, %mul3A_302 : i32
        %add3A_304 = arith.constant 0 : i32
        %add3A_305 = arith.addi %add3A_304, %mul3A_303 : i32
        %add3A_306 = arith.addi %rem3A_245, %add3A_305 : i32
        %get3A_307 = arith.index_cast %add3A_306 : i32 to index
        %get3A_308 = arith.constant 0 : index
        %get3A_309 = tpu.vector_load %arg7[%get3A_307, %get3A_308] {strides = array<i32>} : memref<400x32xf32, #tpu.memory_space<vmem>>, vector<1x16xf32>,
        %get3A_310 = vector.shape_cast %get3A_309 : vector<1x16xf32> to vector<16xf32>
        %swap3A_311 = arith.constant 3 : i32
        %swap3A_312 = arith.index_cast %swap3A_311 : i32 to index
        %swap3A_313 = arith.index_cast %add3A_305 : i32 to index
        %swap3A_314 = arith.constant 0 : index
        %swap3A_315 = tpu.vector_load %arg8[%swap3A_312, %swap3A_313, %swap3A_314] {strides = array<i32>} : memref<4x128x32xf32, #tpu.memory_space<vmem>>, vector<1x1x16xf32>,
        %swap3A_316 = vector.shape_cast %swap3A_315 : vector<1x1x16xf32> to vector<16xf32>
        %swap3A_317 = vector.shape_cast %get3A_310 : vector<16xf32> to vector<1x1x16xf32>
        tpu.vector_store %arg8[%swap3A_312, %swap3A_313, %swap3A_314], %swap3A_317 {add = true, strides = array<i32>} : memref<4x128x32xf32, #tpu.memory_space<vmem>>, vector<1x1x16xf32>,
        %get3A_318 = arith.index_cast %add3A_306 : i32 to index
        %get3A_319 = arith.constant 16 : index
        %get3A_320 = tpu.vector_load %arg7[%get3A_318, %get3A_319] {strides = array<i32>} : memref<400x32xf32, #tpu.memory_space<vmem>>, vector<1x16xf32>,
        %get3A_321 = vector.shape_cast %get3A_320 : vector<1x16xf32> to vector<16xf32>
        %swap3A_322 = arith.constant 3 : i32
        %swap3A_323 = arith.index_cast %swap3A_322 : i32 to index
        %swap3A_324 = arith.index_cast %add3A_305 : i32 to index
        %swap3A_325 = arith.constant 16 : index
        %swap3A_326 = tpu.vector_load %arg8[%swap3A_323, %swap3A_324, %swap3A_325] {strides = array<i32>} : memref<4x128x32xf32, #tpu.memory_space<vmem>>, vector<1x1x16xf32>,
        %swap3A_327 = vector.shape_cast %swap3A_326 : vector<1x1x16xf32> to vector<16xf32>
        %swap3A_328 = vector.shape_cast %get3A_321 : vector<16xf32> to vector<1x1x16xf32>
        tpu.vector_store %arg8[%swap3A_323, %swap3A_324, %swap3A_325], %swap3A_328 {add = true, strides = array<i32>} : memref<4x128x32xf32, #tpu.memory_space<vmem>>, vector<1x1x16xf32>,
        %scan3A_329 = arith.constant 2 : i32
        %scan3A_330 = arith.addi %scan3A_274, %scan3A_329 : i32
        %mul3A_331 = arith.constant 1 : i32
        %mul3A_332 = arith.muli %scan3A_330, %mul3A_331 : i32
        %add3A_333 = arith.constant 0 : i32
        %add3A_334 = arith.addi %add3A_333, %mul3A_332 : i32
        %add3A_335 = arith.addi %rem3A_245, %add3A_334 : i32
        %get3A_336 = arith.index_cast %add3A_335 : i32 to index
        %get3A_337 = arith.constant 0 : index
        %get3A_338 = tpu.vector_load %arg7[%get3A_336, %get3A_337] {strides = array<i32>} : memref<400x32xf32, #tpu.memory_space<vmem>>, vector<1x16xf32>,
        %get3A_339 = vector.shape_cast %get3A_338 : vector<1x16xf32> to vector<16xf32>
        %swap3A_340 = arith.constant 3 : i32
        %swap3A_341 = arith.index_cast %swap3A_340 : i32 to index
        %swap3A_342 = arith.index_cast %add3A_334 : i32 to index
        %swap3A_343 = arith.constant 0 : index
        %swap3A_344 = tpu.vector_load %arg8[%swap3A_341, %swap3A_342, %swap3A_343] {strides = array<i32>} : memref<4x128x32xf32, #tpu.memory_space<vmem>>, vector<1x1x16xf32>,
        %swap3A_345 = vector.shape_cast %swap3A_344 : vector<1x1x16xf32> to vector<16xf32>
        %swap3A_346 = vector.shape_cast %get3A_339 : vector<16xf32> to vector<1x1x16xf32>
        tpu.vector_store %arg8[%swap3A_341, %swap3A_342, %swap3A_343], %swap3A_346 {add = true, strides = array<i32>} : memref<4x128x32xf32, #tpu.memory_space<vmem>>, vector<1x1x16xf32>,
        %get3A_347 = arith.index_cast %add3A_335 : i32 to index
        %get3A_348 = arith.constant 16 : index
        %get3A_349 = tpu.vector_load %arg7[%get3A_347, %get3A_348] {strides = array<i32>} : memref<400x32xf32, #tpu.memory_space<vmem>>, vector<1x16xf32>,
        %get3A_350 = vector.shape_cast %get3A_349 : vector<1x16xf32> to vector<16xf32>
        %swap3A_351 = arith.constant 3 : i32
        %swap3A_352 = arith.index_cast %swap3A_351 : i32 to index
        %swap3A_353 = arith.index_cast %add3A_334 : i32 to index
        %swap3A_354 = arith.constant 16 : index
        %swap3A_355 = tpu.vector_load %arg8[%swap3A_352, %swap3A_353, %swap3A_354] {strides = array<i32>} : memref<4x128x32xf32, #tpu.memory_space<vmem>>, vector<1x1x16xf32>,
        %swap3A_356 = vector.shape_cast %swap3A_355 : vector<1x1x16xf32> to vector<16xf32>
        %swap3A_357 = vector.shape_cast %get3A_350 : vector<16xf32> to vector<1x1x16xf32>
        tpu.vector_store %arg8[%swap3A_352, %swap3A_353, %swap3A_354], %swap3A_357 {add = true, strides = array<i32>} : memref<4x128x32xf32, #tpu.memory_space<vmem>>, vector<1x1x16xf32>,
        %scan3A_358 = arith.constant 3 : i32
        %scan3A_359 = arith.addi %scan3A_274, %scan3A_358 : i32
        %mul3A_360 = arith.constant 1 : i32
        %mul3A_361 = arith.muli %scan3A_359, %mul3A_360 : i32
        %add3A_362 = arith.constant 0 : i32
        %add3A_363 = arith.addi %add3A_362, %mul3A_361 : i32
        %add3A_364 = arith.addi %rem3A_245, %add3A_363 : i32
        %get3A_365 = arith.index_cast %add3A_364 : i32 to index
        %get3A_366 = arith.constant 0 : index
        %get3A_367 = tpu.vector_load %arg7[%get3A_365, %get3A_366] {strides = array<i32>} : memref<400x32xf32, #tpu.memory_space<vmem>>, vector<1x16xf32>,
        %get3A_368 = vector.shape_cast %get3A_367 : vector<1x16xf32> to vector<16xf32>
        %swap3A_369 = arith.constant 3 : i32
        %swap3A_370 = arith.index_cast %swap3A_369 : i32 to index
        %swap3A_371 = arith.index_cast %add3A_363 : i32 to index
        %swap3A_372 = arith.constant 0 : index
        %swap3A_373 = tpu.vector_load %arg8[%swap3A_370, %swap3A_371, %swap3A_372] {strides = array<i32>} : memref<4x128x32xf32, #tpu.memory_space<vmem>>, vector<1x1x16xf32>,
        %swap3A_374 = vector.shape_cast %swap3A_373 : vector<1x1x16xf32> to vector<16xf32>
        %swap3A_375 = vector.shape_cast %get3A_368 : vector<16xf32> to vector<1x1x16xf32>
        tpu.vector_store %arg8[%swap3A_370, %swap3A_371, %swap3A_372], %swap3A_375 {add = true, strides = array<i32>} : memref<4x128x32xf32, #tpu.memory_space<vmem>>, vector<1x1x16xf32>,
        %get3A_376 = arith.index_cast %add3A_364 : i32 to index
        %get3A_377 = arith.constant 16 : index
        %get3A_378 = tpu.vector_load %arg7[%get3A_376, %get3A_377] {strides = array<i32>} : memref<400x32xf32, #tpu.memory_space<vmem>>, vector<1x16xf32>,
        %get3A_379 = vector.shape_cast %get3A_378 : vector<1x16xf32> to vector<16xf32>
        %swap3A_380 = arith.constant 3 : i32
        %swap3A_381 = arith.index_cast %swap3A_380 : i32 to index
        %swap3A_382 = arith.index_cast %add3A_363 : i32 to index
        %swap3A_383 = arith.constant 16 : index
        %swap3A_384 = tpu.vector_load %arg8[%swap3A_381, %swap3A_382, %swap3A_383] {strides = array<i32>} : memref<4x128x32xf32, #tpu.memory_space<vmem>>, vector<1x1x16xf32>,
        %swap3A_385 = vector.shape_cast %swap3A_384 : vector<1x1x16xf32> to vector<16xf32>
        %swap3A_386 = vector.shape_cast %get3A_379 : vector<16xf32> to vector<1x1x16xf32>
        tpu.vector_store %arg8[%swap3A_381, %swap3A_382, %swap3A_383], %swap3A_386 {add = true, strides = array<i32>} : memref<4x128x32xf32, #tpu.memory_space<vmem>>, vector<1x1x16xf32>,
        %scan3A_387 = arith.constant 4 : i32
        %scan3A_388 = arith.addi %scan3A_274, %scan3A_387 : i32
        %mul3A_389 = arith.constant 1 : i32
        %mul3A_390 = arith.muli %scan3A_388, %mul3A_389 : i32
        %add3A_391 = arith.constant 0 : i32
        %add3A_392 = arith.addi %add3A_391, %mul3A_390 : i32
        %add3A_393 = arith.addi %rem3A_245, %add3A_392 : i32
        %get3A_394 = arith.index_cast %add3A_393 : i32 to index
        %get3A_395 = arith.constant 0 : index
        %get3A_396 = tpu.vector_load %arg7[%get3A_394, %get3A_395] {strides = array<i32>} : memref<400x32xf32, #tpu.memory_space<vmem>>, vector<1x16xf32>,
        %get3A_397 = vector.shape_cast %get3A_396 : vector<1x16xf32> to vector<16xf32>
        %swap3A_398 = arith.constant 3 : i32
        %swap3A_399 = arith.index_cast %swap3A_398 : i32 to index
        %swap3A_400 = arith.index_cast %add3A_392 : i32 to index
        %swap3A_401 = arith.constant 0 : index
        %swap3A_402 = tpu.vector_load %arg8[%swap3A_399, %swap3A_400, %swap3A_401] {strides = array<i32>} : memref<4x128x32xf32, #tpu.memory_space<vmem>>, vector<1x1x16xf32>,
        %swap3A_403 = vector.shape_cast %swap3A_402 : vector<1x1x16xf32> to vector<16xf32>
        %swap3A_404 = vector.shape_cast %get3A_397 : vector<16xf32> to vector<1x1x16xf32>
        tpu.vector_store %arg8[%swap3A_399, %swap3A_400, %swap3A_401], %swap3A_404 {add = true, strides = array<i32>} : memref<4x128x32xf32, #tpu.memory_space<vmem>>, vector<1x1x16xf32>,
        %get3A_405 = arith.index_cast %add3A_393 : i32 to index
        %get3A_406 = arith.constant 16 : index
        %get3A_407 = tpu.vector_load %arg7[%get3A_405, %get3A_406] {strides = array<i32>} : memref<400x32xf32, #tpu.memory_space<vmem>>, vector<1x16xf32>,
        %get3A_408 = vector.shape_cast %get3A_407 : vector<1x16xf32> to vector<16xf32>
        %swap3A_409 = arith.constant 3 : i32
        %swap3A_410 = arith.index_cast %swap3A_409 : i32 to index
        %swap3A_411 = arith.index_cast %add3A_392 : i32 to index
        %swap3A_412 = arith.constant 16 : index
        %swap3A_413 = tpu.vector_load %arg8[%swap3A_410, %swap3A_411, %swap3A_412] {strides = array<i32>} : memref<4x128x32xf32, #tpu.memory_space<vmem>>, vector<1x1x16xf32>,
        %swap3A_414 = vector.shape_cast %swap3A_413 : vector<1x1x16xf32> to vector<16xf32>
        %swap3A_415 = vector.shape_cast %get3A_408 : vector<16xf32> to vector<1x1x16xf32>
        tpu.vector_store %arg8[%swap3A_410, %swap3A_411, %swap3A_412], %swap3A_415 {add = true, strides = array<i32>} : memref<4x128x32xf32, #tpu.memory_space<vmem>>, vector<1x1x16xf32>,
        %scan3A_416 = arith.constant 5 : i32
        %scan3A_417 = arith.addi %scan3A_274, %scan3A_416 : i32
        %mul3A_418 = arith.constant 1 : i32
        %mul3A_419 = arith.muli %scan3A_417, %mul3A_418 : i32
        %add3A_420 = arith.constant 0 : i32
        %add3A_421 = arith.addi %add3A_420, %mul3A_419 : i32
        %add3A_422 = arith.addi %rem3A_245, %add3A_421 : i32
        %get3A_423 = arith.index_cast %add3A_422 : i32 to index
        %get3A_424 = arith.constant 0 : index
        %get3A_425 = tpu.vector_load %arg7[%get3A_423, %get3A_424] {strides = array<i32>} : memref<400x32xf32, #tpu.memory_space<vmem>>, vector<1x16xf32>,
        %get3A_426 = vector.shape_cast %get3A_425 : vector<1x16xf32> to vector<16xf32>
        %swap3A_427 = arith.constant 3 : i32
        %swap3A_428 = arith.index_cast %swap3A_427 : i32 to index
        %swap3A_429 = arith.index_cast %add3A_421 : i32 to index
        %swap3A_430 = arith.constant 0 : index
        %swap3A_431 = tpu.vector_load %arg8[%swap3A_428, %swap3A_429, %swap3A_430] {strides = array<i32>} : memref<4x128x32xf32, #tpu.memory_space<vmem>>, vector<1x1x16xf32>,
        %swap3A_432 = vector.shape_cast %swap3A_431 : vector<1x1x16xf32> to vector<16xf32>
        %swap3A_433 = vector.shape_cast %get3A_426 : vector<16xf32> to vector<1x1x16xf32>
        tpu.vector_store %arg8[%swap3A_428, %swap3A_429, %swap3A_430], %swap3A_433 {add = true, strides = array<i32>} : memref<4x128x32xf32, #tpu.memory_space<vmem>>, vector<1x1x16xf32>,
        %get3A_434 = arith.index_cast %add3A_422 : i32 to index
        %get3A_435 = arith.constant 16 : index
        %get3A_436 = tpu.vector_load %arg7[%get3A_434, %get3A_435] {strides = array<i32>} : memref<400x32xf32, #tpu.memory_space<vmem>>, vector<1x16xf32>,
        %get3A_437 = vector.shape_cast %get3A_436 : vector<1x16xf32> to vector<16xf32>
        %swap3A_438 = arith.constant 3 : i32
        %swap3A_439 = arith.index_cast %swap3A_438 : i32 to index
        %swap3A_440 = arith.index_cast %add3A_421 : i32 to index
        %swap3A_441 = arith.constant 16 : index
        %swap3A_442 = tpu.vector_load %arg8[%swap3A_439, %swap3A_440, %swap3A_441] {strides = array<i32>} : memref<4x128x32xf32, #tpu.memory_space<vmem>>, vector<1x1x16xf32>,
        %swap3A_443 = vector.shape_cast %swap3A_442 : vector<1x1x16xf32> to vector<16xf32>
        %swap3A_444 = vector.shape_cast %get3A_437 : vector<16xf32> to vector<1x1x16xf32>
        tpu.vector_store %arg8[%swap3A_439, %swap3A_440, %swap3A_441], %swap3A_444 {add = true, strides = array<i32>} : memref<4x128x32xf32, #tpu.memory_space<vmem>>, vector<1x1x16xf32>,
        %scan3A_445 = arith.constant 6 : i32
        %scan3A_446 = arith.addi %scan3A_274, %scan3A_445 : i32
        %mul3A_447 = arith.constant 1 : i32
        %mul3A_448 = arith.muli %scan3A_446, %mul3A_447 : i32
        %add3A_449 = arith.constant 0 : i32
        %add3A_450 = arith.addi %add3A_449, %mul3A_448 : i32
        %add3A_451 = arith.addi %rem3A_245, %add3A_450 : i32
        %get3A_452 = arith.index_cast %add3A_451 : i32 to index
        %get3A_453 = arith.constant 0 : index
        %get3A_454 = tpu.vector_load %arg7[%get3A_452, %get3A_453] {strides = array<i32>} : memref<400x32xf32, #tpu.memory_space<vmem>>, vector<1x16xf32>,
        %get3A_455 = vector.shape_cast %get3A_454 : vector<1x16xf32> to vector<16xf32>
        %swap3A_456 = arith.constant 3 : i32
        %swap3A_457 = arith.index_cast %swap3A_456 : i32 to index
        %swap3A_458 = arith.index_cast %add3A_450 : i32 to index
        %swap3A_459 = arith.constant 0 : index
        %swap3A_460 = tpu.vector_load %arg8[%swap3A_457, %swap3A_458, %swap3A_459] {strides = array<i32>} : memref<4x128x32xf32, #tpu.memory_space<vmem>>, vector<1x1x16xf32>,
        %swap3A_461 = vector.shape_cast %swap3A_460 : vector<1x1x16xf32> to vector<16xf32>
        %swap3A_462 = vector.shape_cast %get3A_455 : vector<16xf32> to vector<1x1x16xf32>
        tpu.vector_store %arg8[%swap3A_457, %swap3A_458, %swap3A_459], %swap3A_462 {add = true, strides = array<i32>} : memref<4x128x32xf32, #tpu.memory_space<vmem>>, vector<1x1x16xf32>,
        %get3A_463 = arith.index_cast %add3A_451 : i32 to index
        %get3A_464 = arith.constant 16 : index
        %get3A_465 = tpu.vector_load %arg7[%get3A_463, %get3A_464] {strides = array<i32>} : memref<400x32xf32, #tpu.memory_space<vmem>>, vector<1x16xf32>,
        %get3A_466 = vector.shape_cast %get3A_465 : vector<1x16xf32> to vector<16xf32>
        %swap3A_467 = arith.constant 3 : i32
        %swap3A_468 = arith.index_cast %swap3A_467 : i32 to index
        %swap3A_469 = arith.index_cast %add3A_450 : i32 to index
        %swap3A_470 = arith.constant 16 : index
        %swap3A_471 = tpu.vector_load %arg8[%swap3A_468, %swap3A_469, %swap3A_470] {strides = array<i32>} : memref<4x128x32xf32, #tpu.memory_space<vmem>>, vector<1x1x16xf32>,
        %swap3A_472 = vector.shape_cast %swap3A_471 : vector<1x1x16xf32> to vector<16xf32>
        %swap3A_473 = vector.shape_cast %get3A_466 : vector<16xf32> to vector<1x1x16xf32>
        tpu.vector_store %arg8[%swap3A_468, %swap3A_469, %swap3A_470], %swap3A_473 {add = true, strides = array<i32>} : memref<4x128x32xf32, #tpu.memory_space<vmem>>, vector<1x1x16xf32>,
        %scan3A_474 = arith.constant 7 : i32
        %scan3A_475 = arith.addi %scan3A_274, %scan3A_474 : i32
        %mul3A_476 = arith.constant 1 : i32
        %mul3A_477 = arith.muli %scan3A_475, %mul3A_476 : i32
        %add3A_478 = arith.constant 0 : i32
        %add3A_479 = arith.addi %add3A_478, %mul3A_477 : i32
        %add3A_480 = arith.addi %rem3A_245, %add3A_479 : i32
        %get3A_481 = arith.index_cast %add3A_480 : i32 to index
        %get3A_482 = arith.constant 0 : index
        %get3A_483 = tpu.vector_load %arg7[%get3A_481, %get3A_482] {strides = array<i32>} : memref<400x32xf32, #tpu.memory_space<vmem>>, vector<1x16xf32>,
        %get3A_484 = vector.shape_cast %get3A_483 : vector<1x16xf32> to vector<16xf32>
        %swap3A_485 = arith.constant 3 : i32
        %swap3A_486 = arith.index_cast %swap3A_485 : i32 to index
        %swap3A_487 = arith.index_cast %add3A_479 : i32 to index
        %swap3A_488 = arith.constant 0 : index
        %swap3A_489 = tpu.vector_load %arg8[%swap3A_486, %swap3A_487, %swap3A_488] {strides = array<i32>} : memref<4x128x32xf32, #tpu.memory_space<vmem>>, vector<1x1x16xf32>,
        %swap3A_490 = vector.shape_cast %swap3A_489 : vector<1x1x16xf32> to vector<16xf32>
        %swap3A_491 = vector.shape_cast %get3A_484 : vector<16xf32> to vector<1x1x16xf32>
        tpu.vector_store %arg8[%swap3A_486, %swap3A_487, %swap3A_488], %swap3A_491 {add = true, strides = array<i32>} : memref<4x128x32xf32, #tpu.memory_space<vmem>>, vector<1x1x16xf32>,
        %get3A_492 = arith.index_cast %add3A_480 : i32 to index
        %get3A_493 = arith.constant 16 : index
        %get3A_494 = tpu.vector_load %arg7[%get3A_492, %get3A_493] {strides = array<i32>} : memref<400x32xf32, #tpu.memory_space<vmem>>, vector<1x16xf32>,
        %get3A_495 = vector.shape_cast %get3A_494 : vector<1x16xf32> to vector<16xf32>
        %swap3A_496 = arith.constant 3 : i32
        %swap3A_497 = arith.index_cast %swap3A_496 : i32 to index
        %swap3A_498 = arith.index_cast %add3A_479 : i32 to index
        %swap3A_499 = arith.constant 16 : index
        %swap3A_500 = tpu.vector_load %arg8[%swap3A_497, %swap3A_498, %swap3A_499] {strides = array<i32>} : memref<4x128x32xf32, #tpu.memory_space<vmem>>, vector<1x1x16xf32>,
        %swap3A_501 = vector.shape_cast %swap3A_500 : vector<1x1x16xf32> to vector<16xf32>
        %swap3A_502 = vector.shape_cast %get3A_495 : vector<16xf32> to vector<1x1x16xf32>
        tpu.vector_store %arg8[%swap3A_497, %swap3A_498, %swap3A_499], %swap3A_502 {add = true, strides = array<i32>} : memref<4x128x32xf32, #tpu.memory_space<vmem>>, vector<1x1x16xf32>,
      }
      %scan3A_250 = arith.constant 128 : i32
      %add3A_251 = arith.addi %mul3A_2, %add3A_229 : i32
      %mul3A_252 = arith.constant 128 : i32
      %mul3A_253 = arith.muli %add3A_251, %mul3A_252 : i32
      %dma_start3A_254 = arith.constant 3 : i32
      %dma_start3A_255 = arith.constant 0 : i32
      %dma_start3A_256 = arith.constant 0 : i32
      %dma_start3A_257 = tpu.memref_slice %arg8[%dma_start3A_254, %dma_start3A_255, %dma_start3A_256] : memref<4x128x32xf32, #tpu.memory_space<vmem>> -> memref<1x128x32xf32, #tpu.memory_space<vmem>>
      %dma_start3A_258 = tpu.memref_squeeze %dma_start3A_257 : memref<1x128x32xf32, #tpu.memory_space<vmem>> -> memref<128x32xf32, #tpu.memory_space<vmem>>
      %dma_start3A_259 = arith.constant 0 : i32
      %dma_start3A_260 = tpu.memref_slice %arg5[%mul3A_253, %dma_start3A_259] : memref<819200x32xf32, #tpu.memory_space<hbm>> -> memref<128x32xf32, #tpu.memory_space<hbm>>
      %dma_start3A_261 = arith.constant 0 : i32
      %dma_start3A_262 = tpu.memref_slice %arg5[%mul3A_253, %dma_start3A_261] : memref<819200x32xf32, #tpu.memory_space<hbm>> -> memref<128x32xf32, #tpu.memory_space<hbm>>
      %dma_start3A_263 = arith.constant 0 : i32
      %dma_start3A_264 = arith.constant 0 : i32
      %dma_start3A_265 = tpu.memref_slice %arg8[%dma_start3A_254, %dma_start3A_263, %dma_start3A_264] : memref<4x128x32xf32, #tpu.memory_space<vmem>> -> memref<1x128x32xf32, #tpu.memory_space<vmem>>
      %dma_start3A_266 = tpu.memref_squeeze %dma_start3A_265 : memref<1x128x32xf32, #tpu.memory_space<vmem>> -> memref<128x32xf32, #tpu.memory_space<vmem>>
      tpu.enqueue_dma source(%dma_start3A_266 : memref<128x32xf32, #tpu.memory_space<vmem>>) target(%dma_start3A_262 : memref<128x32xf32, #tpu.memory_space<hbm>>) target_semaphore(%arg16 : memref<!tpu.dma_semaphore, #tpu.memory_space<semaphore_mem>>)
      %add3A_267 = arith.constant 2 : i32
      %add3A_268 = arith.addi %add3A_229, %add3A_267 : i32
      %lt3A_269 = arith.constant 200 : i32
      %lt3A_270 = arith.cmpi slt, %add3A_268, %lt3A_269 : i32
      %convert_element_type3A_271 = arith.extui %lt3A_270 : i1 to i32
      %cond3A_272 = arith.constant 0 : i32
      %cond3A_273 = arith.cmpi ne, %convert_element_type3A_271, %cond3A_272 : i32
      scf.if %cond3A_273 {
        %ge3A = arith.constant 2 : i32
        %ge3A_274 = arith.cmpi sge, %add3A_229, %ge3A : i32
        %convert_element_type3A_275 = arith.extui %ge3A_274 : i1 to i32
        %cond3A_276 = arith.constant 0 : i32
        %cond3A_277 = arith.cmpi ne, %convert_element_type3A_275, %cond3A_276 : i32
        scf.if %cond3A_277 {
          %dma_wait3A_291 = arith.constant 1 : i32
          %dma_wait3A_292 = arith.constant 0 : i32
          %dma_wait3A_293 = arith.constant 0 : i32
          %dma_wait3A_294 = tpu.memref_slice %arg8[%dma_wait3A_291, %dma_wait3A_292, %dma_wait3A_293] : memref<4x128x32xf32, #tpu.memory_space<vmem>> -> memref<1x128x32xf32, #tpu.memory_space<vmem>>
          %dma_wait3A_295 = tpu.memref_squeeze %dma_wait3A_294 : memref<1x128x32xf32, #tpu.memory_space<vmem>> -> memref<128x32xf32, #tpu.memory_space<vmem>>
          %dma_wait3A_296 = arith.constant 0 : i32
          %dma_wait3A_297 = arith.constant 0 : i32
          %dma_wait3A_298 = tpu.memref_slice %arg5[%dma_wait3A_296, %dma_wait3A_297] : memref<819200x32xf32, #tpu.memory_space<hbm>> -> memref<128x32xf32, #tpu.memory_space<hbm>>
          %dma_wait3A_299 = arith.constant 0 : i32
          %dma_wait3A_300 = arith.constant 0 : i32
          %dma_wait3A_301 = tpu.memref_slice %arg5[%dma_wait3A_299, %dma_wait3A_300] : memref<819200x32xf32, #tpu.memory_space<hbm>> -> memref<128x32xf32, #tpu.memory_space<hbm>>
          %dma_wait3A_302 = arith.constant 0 : i32
          %dma_wait3A_303 = arith.constant 0 : i32
          %dma_wait3A_304 = tpu.memref_slice %arg8[%dma_wait3A_291, %dma_wait3A_302, %dma_wait3A_303] : memref<4x128x32xf32, #tpu.memory_space<vmem>> -> memref<1x128x32xf32, #tpu.memory_space<vmem>>
          %dma_wait3A_305 = tpu.memref_squeeze %dma_wait3A_304 : memref<1x128x32xf32, #tpu.memory_space<vmem>> -> memref<128x32xf32, #tpu.memory_space<vmem>>
          tpu.wait_dma2 semaphore(%arg14 : memref<!tpu.dma_semaphore, #tpu.memory_space<semaphore_mem>>) src(%dma_wait3A_305 : memref<128x32xf32, #tpu.memory_space<vmem>>) dst(%dma_wait3A_301 : memref<128x32xf32, #tpu.memory_space<hbm>>)
        } else {
        }
        %add3A_278 = arith.constant 2 : i32
        %add3A_279 = arith.addi %add3A_229, %add3A_278 : i32
        %dma_start3A_280 = arith.constant 1 : i32
        %dma_start3A_281 = arith.constant 0 : i32
        %dma_start3A_282 = arith.constant 0 : i32
        %dma_start3A_283 = tpu.memref_slice %arg8[%dma_start3A_280, %dma_start3A_281, %dma_start3A_282] : memref<4x128x32xf32, #tpu.memory_space<vmem>> -> memref<1x128x32xf32, #tpu.memory_space<vmem>>
        %dma_start3A_284 = tpu.memref_squeeze %dma_start3A_283 : memref<1x128x32xf32, #tpu.memory_space<vmem>> -> memref<128x32xf32, #tpu.memory_space<vmem>>
        %dma_start3A_285 = arith.constant 0 : i32
        %dma_start3A_286 = tpu.memref_slice %arg6[%add3A_279, %dma_start3A_285] : memref<200x128xi32, #tpu.memory_space<vmem>> -> memref<1x128xi32, #tpu.memory_space<vmem>>
        %dma_start3A_287 = tpu.memref_squeeze %dma_start3A_286 : memref<1x128xi32, #tpu.memory_space<vmem>> -> memref<128xi32, #tpu.memory_space<vmem>>
        %dma_start3A_288 = arith.constant 0 : i32
        %dma_start3A_289 = arith.constant 0 : i32
        %dma_start3A_290 = tpu.memref_slice %arg3[%dma_start3A_288, %dma_start3A_289] : memref<1000000x32xf32, #tpu.memory_space<hbm>> -> memref<1000000x32xf32, #tpu.memory_space<hbm>>
        tpu.enqueue_indirect_dma source(%dma_start3A_290 : memref<1000000x32xf32, #tpu.memory_space<hbm>>) target(%dma_start3A_284 : memref<128x32xf32, #tpu.memory_space<vmem>>) offsets(%dma_start3A_287 : memref<128xi32, #tpu.memory_space<vmem>>) semaphore(%arg10 : memref<!tpu.dma_semaphore, #tpu.memory_space<semaphore_mem>>)
      } else {
      }
    }
    %scan3A_29 = arith.constant 50 : i32
    %dma_wait3A = arith.constant 0 : i32
    %dma_wait3A_30 = arith.constant 0 : i32
    %dma_wait3A_31 = arith.constant 0 : i32
    %dma_wait3A_32 = tpu.memref_slice %arg8[%dma_wait3A, %dma_wait3A_30, %dma_wait3A_31] : memref<4x128x32xf32, #tpu.memory_space<vmem>> -> memref<1x128x32xf32, #tpu.memory_space<vmem>>
    %dma_wait3A_33 = tpu.memref_squeeze %dma_wait3A_32 : memref<1x128x32xf32, #tpu.memory_space<vmem>> -> memref<128x32xf32, #tpu.memory_space<vmem>>
    %dma_wait3A_34 = arith.constant 0 : i32
    %dma_wait3A_35 = arith.constant 0 : i32
    %dma_wait3A_36 = tpu.memref_slice %arg5[%dma_wait3A_34, %dma_wait3A_35] : memref<819200x32xf32, #tpu.memory_space<hbm>> -> memref<128x32xf32, #tpu.memory_space<hbm>>
    %dma_wait3A_37 = arith.constant 0 : i32
    %dma_wait3A_38 = arith.constant 0 : i32
    %dma_wait3A_39 = tpu.memref_slice %arg5[%dma_wait3A_37, %dma_wait3A_38] : memref<819200x32xf32, #tpu.memory_space<hbm>> -> memref<128x32xf32, #tpu.memory_space<hbm>>
    %dma_wait3A_40 = arith.constant 0 : i32
    %dma_wait3A_41 = arith.constant 0 : i32
    %dma_wait3A_42 = tpu.memref_slice %arg8[%dma_wait3A, %dma_wait3A_40, %dma_wait3A_41] : memref<4x128x32xf32, #tpu.memory_space<vmem>> -> memref<1x128x32xf32, #tpu.memory_space<vmem>>
    %dma_wait3A_43 = tpu.memref_squeeze %dma_wait3A_42 : memref<1x128x32xf32, #tpu.memory_space<vmem>> -> memref<128x32xf32, #tpu.memory_space<vmem>>
    tpu.wait_dma2 semaphore(%arg13 : memref<!tpu.dma_semaphore, #tpu.memory_space<semaphore_mem>>) src(%dma_wait3A_43 : memref<128x32xf32, #tpu.memory_space<vmem>>) dst(%dma_wait3A_39 : memref<128x32xf32, #tpu.memory_space<hbm>>)
    %dma_wait3A_44 = arith.constant 1 : i32
    %dma_wait3A_45 = arith.constant 0 : i32
    %dma_wait3A_46 = arith.constant 0 : i32
    %dma_wait3A_47 = tpu.memref_slice %arg8[%dma_wait3A_44, %dma_wait3A_45, %dma_wait3A_46] : memref<4x128x32xf32, #tpu.memory_space<vmem>> -> memref<1x128x32xf32, #tpu.memory_space<vmem>>
    %dma_wait3A_48 = tpu.memref_squeeze %dma_wait3A_47 : memref<1x128x32xf32, #tpu.memory_space<vmem>> -> memref<128x32xf32, #tpu.memory_space<vmem>>
    %dma_wait3A_49 = arith.constant 0 : i32
    %dma_wait3A_50 = arith.constant 0 : i32
    %dma_wait3A_51 = tpu.memref_slice %arg5[%dma_wait3A_49, %dma_wait3A_50] : memref<819200x32xf32, #tpu.memory_space<hbm>> -> memref<128x32xf32, #tpu.memory_space<hbm>>
    %dma_wait3A_52 = arith.constant 0 : i32
    %dma_wait3A_53 = arith.constant 0 : i32
    %dma_wait3A_54 = tpu.memref_slice %arg5[%dma_wait3A_52, %dma_wait3A_53] : memref<819200x32xf32, #tpu.memory_space<hbm>> -> memref<128x32xf32, #tpu.memory_space<hbm>>
    %dma_wait3A_55 = arith.constant 0 : i32
    %dma_wait3A_56 = arith.constant 0 : i32
    %dma_wait3A_57 = tpu.memref_slice %arg8[%dma_wait3A_44, %dma_wait3A_55, %dma_wait3A_56] : memref<4x128x32xf32, #tpu.memory_space<vmem>> -> memref<1x128x32xf32, #tpu.memory_space<vmem>>
    %dma_wait3A_58 = tpu.memref_squeeze %dma_wait3A_57 : memref<1x128x32xf32, #tpu.memory_space<vmem>> -> memref<128x32xf32, #tpu.memory_space<vmem>>
    tpu.wait_dma2 semaphore(%arg14 : memref<!tpu.dma_semaphore, #tpu.memory_space<semaphore_mem>>) src(%dma_wait3A_58 : memref<128x32xf32, #tpu.memory_space<vmem>>) dst(%dma_wait3A_54 : memref<128x32xf32, #tpu.memory_space<hbm>>)
    %dma_wait3A_59 = arith.constant 2 : i32
    %dma_wait3A_60 = arith.constant 0 : i32
    %dma_wait3A_61 = arith.constant 0 : i32
    %dma_wait3A_62 = tpu.memref_slice %arg8[%dma_wait3A_59, %dma_wait3A_60, %dma_wait3A_61] : memref<4x128x32xf32, #tpu.memory_space<vmem>> -> memref<1x128x32xf32, #tpu.memory_space<vmem>>
    %dma_wait3A_63 = tpu.memref_squeeze %dma_wait3A_62 : memref<1x128x32xf32, #tpu.memory_space<vmem>> -> memref<128x32xf32, #tpu.memory_space<vmem>>
    %dma_wait3A_64 = arith.constant 0 : i32
    %dma_wait3A_65 = arith.constant 0 : i32
    %dma_wait3A_66 = tpu.memref_slice %arg5[%dma_wait3A_64, %dma_wait3A_65] : memref<819200x32xf32, #tpu.memory_space<hbm>> -> memref<128x32xf32, #tpu.memory_space<hbm>>
    %dma_wait3A_67 = arith.constant 0 : i32
    %dma_wait3A_68 = arith.constant 0 : i32
    %dma_wait3A_69 = tpu.memref_slice %arg5[%dma_wait3A_67, %dma_wait3A_68] : memref<819200x32xf32, #tpu.memory_space<hbm>> -> memref<128x32xf32, #tpu.memory_space<hbm>>
    %dma_wait3A_70 = arith.constant 0 : i32
    %dma_wait3A_71 = arith.constant 0 : i32
    %dma_wait3A_72 = tpu.memref_slice %arg8[%dma_wait3A_59, %dma_wait3A_70, %dma_wait3A_71] : memref<4x128x32xf32, #tpu.memory_space<vmem>> -> memref<1x128x32xf32, #tpu.memory_space<vmem>>
    %dma_wait3A_73 = tpu.memref_squeeze %dma_wait3A_72 : memref<1x128x32xf32, #tpu.memory_space<vmem>> -> memref<128x32xf32, #tpu.memory_space<vmem>>
    tpu.wait_dma2 semaphore(%arg15 : memref<!tpu.dma_semaphore, #tpu.memory_space<semaphore_mem>>) src(%dma_wait3A_73 : memref<128x32xf32, #tpu.memory_space<vmem>>) dst(%dma_wait3A_69 : memref<128x32xf32, #tpu.memory_space<hbm>>)
    %dma_wait3A_74 = arith.constant 3 : i32
    %dma_wait3A_75 = arith.constant 0 : i32
    %dma_wait3A_76 = arith.constant 0 : i32
    %dma_wait3A_77 = tpu.memref_slice %arg8[%dma_wait3A_74, %dma_wait3A_75, %dma_wait3A_76] : memref<4x128x32xf32, #tpu.memory_space<vmem>> -> memref<1x128x32xf32, #tpu.memory_space<vmem>>
    %dma_wait3A_78 = tpu.memref_squeeze %dma_wait3A_77 : memref<1x128x32xf32, #tpu.memory_space<vmem>> -> memref<128x32xf32, #tpu.memory_space<vmem>>
    %dma_wait3A_79 = arith.constant 0 : i32
    %dma_wait3A_80 = arith.constant 0 : i32
    %dma_wait3A_81 = tpu.memref_slice %arg5[%dma_wait3A_79, %dma_wait3A_80] : memref<819200x32xf32, #tpu.memory_space<hbm>> -> memref<128x32xf32, #tpu.memory_space<hbm>>
    %dma_wait3A_82 = arith.constant 0 : i32
    %dma_wait3A_83 = arith.constant 0 : i32
    %dma_wait3A_84 = tpu.memref_slice %arg5[%dma_wait3A_82, %dma_wait3A_83] : memref<819200x32xf32, #tpu.memory_space<hbm>> -> memref<128x32xf32, #tpu.memory_space<hbm>>
    %dma_wait3A_85 = arith.constant 0 : i32
    %dma_wait3A_86 = arith.constant 0 : i32
    %dma_wait3A_87 = tpu.memref_slice %arg8[%dma_wait3A_74, %dma_wait3A_85, %dma_wait3A_86] : memref<4x128x32xf32, #tpu.memory_space<vmem>> -> memref<1x128x32xf32, #tpu.memory_space<vmem>>
    %dma_wait3A_88 = tpu.memref_squeeze %dma_wait3A_87 : memref<1x128x32xf32, #tpu.memory_space<vmem>> -> memref<128x32xf32, #tpu.memory_space<vmem>>
    tpu.wait_dma2 semaphore(%arg16 : memref<!tpu.dma_semaphore, #tpu.memory_space<semaphore_mem>>) src(%dma_wait3A_88 : memref<128x32xf32, #tpu.memory_space<vmem>>) dst(%dma_wait3A_84 : memref<128x32xf32, #tpu.memory_space<hbm>>)
    return
  }
}

</mosaic_0001>

<sc_bundles>
// kernel: kernel.3.cloned.1.call-start
scs
__scs_entry_jumppad:
0x0: {  	(pc) =	sbr.rel $0x88, $3  }
0x1: {  	(tag) =	ssettag $0x0;
	lr =	simm.s32 $0x1  }
0x2: {  	[smem:$0x3F9E] =	sst lr;
	_ =	strace $0xD0000000  }
0x3: {  	_ = 	snop  }
0x4: {  	_ = 	snop  }
0x5: {  	_ = 	snop  }
0x6: {  	_ = 	snop  }
0x7: {  	_ = 	snop  }
__scs_overlays_trampoline_lowered:
0x8: {  	[smem:$0x3FAD] =	sst s0  }
0x9: {  	[smem:$0x3FAE] =	sst s1  }
0xa: {  	[smem:$0x3FAF] =	sst s2  }
0xb: {  	[smem:$0x3FB0] =	sst s3  }
0xc: {  	[smem:$0x3FB1] =	sst s4  }
0xd: {  	[smem:$0x3FB2] =	sst s5  }
0xe: {  	[smem:$0x3FB3] =	sst s6  }
0xf: {  	[smem:$0x3FB4] =	sst s7  }
0x10: {  	[smem:$0x3FB5] =	sst s8  }
0x11: {  	[smem:$0x3FB6] =	sst s9;
	s0 =	simm.s32 @!p0 $0x0  }
0x12: {  	s1 =	sld [smem:$0x3F9C];
	s0 =	simm.s32 @p0 $0x1  }
0x13: {  	[smem:$0x3FB7] =	sst s0;
	s0 =	simm.s32 @!p1 $0x0  }
0x14: {  	s2 =	sld [smem:$0x3F9B];
	s0 =	simm.s32 @p1 $0x1  }
0x15: {  	[smem:$0x3FB8] =	sst s0;
	s0 =	simm.s32 @!p2 $0x0  }
0x16: {  	s3 =	sld [smem:$0x3FDB];
	s0 =	simm.s32 @p2 $0x1  }
0x17: {  	s4 =	simm.s32 $0x1BF5;
	[smem:$0x3FBA] =	sst s0  }
0x18: {  	s0 =	sld [smem:$0x3F9D];
	_ =	swait.ge [sflag:s4], $0x0  }
0x19: {  	s7 =	sld [smem:$0x3F9E]  }
0x1a: {  	s8 =	sadd.s32 $0xFFFFE003, lr  }
0x1b: {  	s9 =	sadd.s32 $0xFFFFFEF7, lr;
	s5 =	simm.s32 $0xFFFFFFFF;
	p2 =	slt.u32 s8, $0xFFFFF086  }
0x1c: {  	p1 =	slt.u32 s9, $0xF7A;
	s5 =	simm.s32 @!p2 $0x0  }
0x1d: {  	s5 =	simm.s32 @p1 $0x1;
	p0 =	seq.s32 s7, s2  }
0x1e: {  	s7 =	smul.u32 @!p0 $0xF7A, s2;
	p2 =	seq.s32 @!p0 s5, $0x0  }
0x1f: {  	s9 =	smul.u32 $0xF7A, s1;
	s8 =	simm.s32 @!p0 $0x1BF5;
	p2 =	por !p2, p0  }
0x20: {  	[sflag:s8] =	ssyncset.s32 @!p0 $0xFFFFF086;
	s6 =	sadd.s32 @!p0 s3, s7;
	s7 =	simm.s32 @!p0 $0x108  }
0x21: {  	s3 =	sadd.s32 s3, s9;
	s6 =	sadd.s32 @!p0 $0x88, s6;
	s7 =	simm.s32 @p2 $0x1082  }
0x22: {  	[simem:s7], [sflag:s8] =	dma.local @!p0 [hbm:s6], $0xF7A  }
0x23: {  	s9 =	sor.u32 $0xD0000000, s2;
	s6 =	simm.s32 $0x108;
	_ =	swait.ge @!p0 [sflag:s8], $0x0  }
0x24: {  	s3 =	sadd.s32 $0x88, s3;
	s6 =	simm.s32 @!p1 $0x1082;
	[sflag:s4] =	ssyncset.s32 $0xFFFFF086  }
0x25: {  	[simem:s6], [sflag:s4] =	dma.local [hbm:s3], $0xF7A  }
0x26: {  	[smem:$0x3F9E] =	sst s1;
	(tag) =	ssettag s2;
	_ =	strace s9  }
0x27: {  	s1 =	sld [smem:$0x3FAE]  }
0x28: {  	s2 =	sld [smem:$0x3FAF]  }
0x29: {  	s4 =	sld [smem:$0x3FB1]  }
0x2a: {  	p0 =	seq.s32 s5, $0x0;
	s5 =	sld [smem:$0x3FB2]  }
0x2b: {  	s6 =	sld [smem:$0x3FB3]  }
0x2c: {  	s7 =	sld [smem:$0x3FB4]  }
0x2d: {  	s3 =	simm.s32 $0x108;
	s8 =	sld [smem:$0x3FB5]  }
0x2e: {  	s3 =	simm.s32 @!p0 $0x1082;
	s9 =	sld [smem:$0x3FB6]  }
0x2f: {  	lr =	sadd.s32 s0, s3;
	s0 =	sld [smem:$0x3FAD]  }
0x30: {  	s3 =	sld [smem:$0x3FB0]  }
0x31: {  	[smem:$0x3FB9] =	sst s10  }
0x32: {  	s10 =	sld [smem:$0x3FB7];
	_ =	sdelay $0x3  }
0x33: {  	p0 =	seq.s32 s10, $0x1;
	s10 =	sld [smem:$0x3FB9];
	_ =	sdelay $0x3  }
0x34: {  	[smem:$0x3FB9] =	sst s10  }
0x35: {  	s10 =	sld [smem:$0x3FB8];
	_ =	sdelay $0x3  }
0x36: {  	p1 =	seq.s32 s10, $0x1;
	s10 =	sld [smem:$0x3FB9];
	_ =	sdelay $0x3  }
0x37: {  	[smem:$0x3FB9] =	sst s10  }
0x38: {  	s10 =	sld [smem:$0x3FBA]  }
0x39: {  	_ = 	snop;
	(pc) =	sbr.ind lr, $3  }
0x3a: {  	_ = 	snop  }
0x3b: {  	_ = 	snop  }
0x3c: {  	p2 =	seq.s32 s10, $0x1;
	s10 =	sld [smem:$0x3FB9]  }
0x3d: {  	_ =	shalt  }
0x3e: {  	_ =	shalt  }
0x3f: {  	_ =	shalt  }
0x40: {  	_ =	shalt  }
0x41: {  	_ =	shalt  }
0x42: {  	_ =	shalt  }
0x43: {  	_ =	shalt  }
0x44: {  	_ =	shalt  }
0x45: {  	_ =	shalt  }
0x46: {  	_ =	shalt  }
0x47: {  	_ =	shalt  }
0x48: {  	_ =	shalt  }
0x49: {  	_ =	shalt  }
0x4a: {  	_ =	shalt  }
0x4b: {  	_ =	shalt  }
0x4c: {  	_ =	shalt  }
0x4d: {  	_ =	shalt  }
0x4e: {  	_ =	shalt  }
0x4f: {  	_ =	shalt  }
0x50: {  	_ =	shalt  }
0x51: {  	_ =	shalt  }
0x52: {  	_ =	shalt  }
0x53: {  	_ =	shalt  }
0x54: {  	_ =	shalt  }
0x55: {  	_ =	shalt  }
0x56: {  	_ =	shalt  }
0x57: {  	_ =	shalt  }
0x58: {  	_ =	shalt  }
0x59: {  	_ =	shalt  }
0x5a: {  	_ =	shalt  }
0x5b: {  	_ =	shalt  }
0x5c: {  	_ =	shalt  }
0x5d: {  	_ =	shalt  }
0x5e: {  	_ =	shalt  }
0x5f: {  	_ =	shalt  }
0x60: {  	_ =	shalt  }
0x61: {  	_ =	shalt  }
0x62: {  	_ =	shalt  }
0x63: {  	_ =	shalt  }
0x64: {  	_ =	shalt  }
0x65: {  	_ =	shalt  }
0x66: {  	_ =	shalt  }
0x67: {  	_ =	shalt  }
0x68: {  	_ =	shalt  }
0x69: {  	_ =	shalt  }
0x6a: {  	_ =	shalt  }
0x6b: {  	_ =	shalt  }
0x6c: {  	_ =	shalt  }
0x6d: {  	_ =	shalt  }
0x6e: {  	_ =	shalt  }
0x6f: {  	_ =	shalt  }
0x70: {  	_ =	shalt  }
0x71: {  	_ =	shalt  }
0x72: {  	_ =	shalt  }
0x73: {  	_ =	shalt  }
0x74: {  	_ =	shalt  }
0x75: {  	_ =	shalt  }
0x76: {  	_ =	shalt  }
0x77: {  	_ =	shalt  }
0x78: {  	_ =	shalt  }
0x79: {  	_ =	shalt  }
0x7a: {  	_ =	shalt  }
0x7b: {  	_ =	shalt  }
0x7c: {  	_ =	shalt  }
0x7d: {  	_ =	shalt  }
0x7e: {  	_ =	shalt  }
0x7f: {  	_ =	shalt  }
0x80: {  	_ =	shalt  }
0x81: {  	_ =	shalt  }
0x82: {  	_ =	shalt  }
0x83: {  	_ =	shalt  }
0x84: {  	_ =	shalt  }
0x85: {  	_ =	shalt  }
0x86: {  	_ =	shalt  }
0x87: {  	_ =	shalt  }
.Lfunc_end0:
.L_simem_size_0:
called_computation.1_lowered:
.L_overlay_start_0:
0x88: {  	s2 =	sld [smem:$0x3FD9]  }
0x89: {  	s3 =	sld [smem:$0x3FFE];
	_ =	sdelay $0x1  }
0x8a: {  	s1 =	srdreg.scid  }
0x8b: {  	s0 =	sand.u32 $0x1, s1  }
0x8c: {  	s17 =	sshll.u32 s0, $0xA;
	s2 =	sadd.s32 s3, s2  }
0x8d: {  	s2 =	sadd.s32 s2, s17  }
0x8e: {  	[smem:$0x3FC5] =	sst s2  }
0x8f: {  	_ = 	snop  }
0x90: {  	s2 =	sld [smem:$0x3FD0];
	(tm) =	ssettm $0x1  }
0x91: {  	s18 =	sld [smem:$0x3FFB];
	_ =	sdelay $0x3  }
0x92: {  	_ =	strace s18  }
0x93: {  	s3 =	sld [smem:$0x3FFC];
	_ =	sdelay $0x3  }
0x94: {  	_ =	strace s3  }
0x95: {  	s3 =	sld [smem:$0x3FFD];
	_ =	sdelay $0x3  }
0x96: {  	_ =	strace s3  }
0x97: {  	_ =	strace $0x8FFFFFFF  }
0x98: {  	s19 =	sld [smem:$0x3FDB];
	_ =	sdelay $0x1  }
0x99: {  	s4 =	simm.s32 $_scs_section_size  }
0x9a: {  	s5 =	simm.s32 $_size__tile_overlayer_lowered;
	s6 =	simm.s32 $_tile_overlayer_lowered  }
0x9b: {  	s22 =	simm.s32 $0x1BFF;
	s21 =	sshll.u32 s6, $0x1;
	s3 =	sadd.s32 s4, s19  }
0x9c: {  	s7 =	simm.s32 $0x0;
	s20 =	sshll.u32 s5, $0x1;
	s5 =	sadd.s32 s21, s3  }
0x9d: {  	[timem:s7], [sflag:s22] =	dma.local [hbm:s5], s20  }
0x9e: {  	_ =	swait.ge [sflag:s22], s20  }
0x9f: {  	s4 =	ssub.s32 $0x0, s20;
	[sflag:s22] =	ssyncset.done $0x0  }
0xa0: {  	[sflag:s22] =	ssyncadd.s32 s4;
	_ =	sdelay $0x1  }
0xa1: {  	s23 =	simm.s32 $0x1B8B  }
0xa2: {  	_ =	swait.ge [sflag:s23], $0x1  }
0xa3: {  	[sflag:s23] =	ssyncset.done $0x0  }
0xa4: {  	s25 =	simm.s32 $0x1B8E;
	s24 =	sld [smem:$0x3FFE];
	[sflag:s23] =	ssyncadd.s32 $0xFFFFFFFF  }
0xa5: {  	s26 =	simm.s32 $execute0_lowered;
	[smem:$0x3FD2] =	sst s25  }
0xa6: {  	s5 =	sshll.u32 s26, $0x1;
	_ =	strace $0x80000046;
	[dreg:$0x1] =	wrdreg $0xFFFFFFFF  }
0xa7: {  	s28 =	simm.s32 $_size_execute0_lowered;
	s3 =	sadd.s32 s3, s5;
	[dreg:$0x0] =	wrdreg $0x0  }
0xa8: {  	s5 =	sshll.u32 s28, $0x1;
	[dreg:$0x2] =	wrdreg s3  }
0xa9: {  	[dreg:$0x3] =	wrdreg s5  }
0xaa: {  	[dreg:$0x4] =	wrdreg $0xC0  }
0xab: {  	_ =	task [dreg:s7], $0x5FFFF  }
0xac: {  	[dreg:$0x1] =	wrdreg $0xFFFFFFFF  }
0xad: {  	[dreg:$0x0] =	wrdreg $0x60  }
0xae: {  	[dreg:$0x2] =	wrdreg s24  }
0xaf: {  	[dreg:$0x3] =	wrdreg s2  }
0xb0: {  	[dreg:$0x4] =	wrdreg $0x9  }
0xb1: {  	_ =	task.clear_ibuf [dreg:s7], $0x5FFFF;
	_ =	strace $0x90000046  }
0xb2: {  	s29 =	simm.s32 $0x9;
	_ =	strace $0x80000048  }
0xb3: {  	_ =	swait.ge [sflag:s29], $0x1  }
0xb4: {  	[sflag:s29] =	ssyncadd.s32 $0xFFFFFFFF  }
0xb5: {  	_ =	strace $0x90000048  }
0xb6: {  	_ =	sfence  }
0xb7: {  	s30 =	sld [smem:$0x0];
	_ =	sdelay $0x2  }
0xb8: {  	s31 =	sshll.u32 s1, $0xD;
	s1 =	sshrl.u32 s1, $0x2  }
0xb9: {  	s3 =	sand.u32 $0x4000, s31;
	s1 =	sadd.s32 s1, s30  }
0xba: {  	s0 =	sor.u32 s3, s0;
	s1 =	sshll.u32 s1, $0x11  }
0xbb: {  	s0 =	sor.u32 s1, s0  }
0xbc: {  	s0 =	sadd.s32 $0x8F2B, s0  }
0xbd: {  	[sflag:s0] =	ssyncadd.remote.s32 $0x1  }
0xbe: {  	_ =	sfence.sel $0xFFFF  }
0xbf: {  	[dreg:$0x0] =	wrdreg $0xFFFFFFFF;
	(pc) =	sbr.abs _section_cstart, $3  }
0xc0: {  	[dreg:$0x1] =	wrdreg $0xFFFFFFFF  }
0xc1: {  	_ =	task.clear_ibuf [dreg:s7], $0x2FFFF;
	_ =	strace $0x9FFFFFFF  }
0xc2: {  	(tm) =	ssettm $0x7FFFFFFF  }
0xc3: {  	_ =	shalt  }
tec
execute0_lowered:
.L_overlay_start_1:
0x0: {  	(tag) =	ssettag $0x1  }
0x1: {  	s0 =	rddreg [dreg:$0x0];
	s1 =	srdreg.scid  }
0x2: {  	s3 =	stileid.u32;
	s2 =	rddreg [dreg:$0x1];
	s11 =	simm.s32 $0x9600  }
0x3: {  	s12 =	simm.s32 $0xA600;
	s13 =	simm.s32 $0x1;
	s14 =	simm.s32 $0x80  }
0x4: {  	s15 =	simm.s32 $0xB600;
	s16 =	simm.s32 $0x2;
	s17 =	simm.s32 $0xC600  }
0x5: {  	s18 =	simm.s32 $0x3;
	s1 =	sand.u32 $0x1, s1;
	s4 =	sshll.u32 s3, $0x1  }
0x6: {  	s19 =	simm.s32 $0x4;
	s3 =	simm.s32 $0x0;
	s5 =	sor.u32 s1, s4  }
0x7: {  	[smem:$0x7FF] =	sst s3;
	s1 =	ssub.s32 $0x2, s1;
	s4 =	smul.u32 $0xC80, s5  }
.Ltmp0:
0x8: {  	_ =	strace $0x80000047;
	s6 =	sshrl.u32 s1, $0x1;
	(pc) =	sbr.rel .LBB2_1-.Ltmp0, $4  }
0x9: {  	s7 =	sadd.s32 s4, s0;
	s4 =	sadd.s32 $0xF43000, s0;
	s0 =	sadd.s32 $0x19C00, s0  }
0xa: {  	s30 =	ssub.s32 s1, s6;
	[dreg:$0x3] =	wrdreg s0;
	s31 =	sadd.s32 $0xC00, s7  }
0xb: {  	s21 =	simm.s32 $0x6;
	s0 =	smax.u32 s30, $0x1;
	[dreg:$0x4] =	wrdreg s31  }
0xc: {  	s6 =	smul.u32 $0xC8, s5;
	s5 =	simm.s32 $0x0;
	[dreg:$0x5] =	wrdreg s0  }
.LBB2_12:
0xd: {  	s0 =	simm.s32 $0x5  }
0xe: {  	_ =	swait.ge [sflag:s0], $0x1000  }
0xf: {  	[sflag:s0] =	ssyncset.done $0x0  }
0x10: {  	[sflag:s0] =	ssyncadd.s32 $0xFFFFF000  }
0x11: {  	_ =	swait.ge [sflag:s21], $0x1000  }
0x12: {  	[sflag:s21] =	ssyncset.done $0x0  }
0x13: {  	s30 =	simm.s32 $0x7;
	[sflag:s21] =	ssyncadd.s32 $0xFFFFF000  }
0x14: {  	_ =	swait.ge [sflag:s30], $0x1000  }
0x15: {  	[sflag:s30] =	ssyncset.done $0x0  }
0x16: {  	s1 =	simm.s32 $0x8;
	[sflag:s30] =	ssyncadd.s32 $0xFFFFF000  }
0x17: {  	_ =	swait.ge [sflag:s1], $0x1000  }
0x18: {  	s5 =	rddreg [dreg:$0x6]  }
0x19: {  	s31 =	rddreg [dreg:$0x5];
	s5 =	sadd.s32 $0x1, s5  }
0x1a: {  	p0 =	sne.s32 s5, s31  }
.Ltmp1:
0x1b: {  	_ = 	snop;
	(pc) =	sbr.rel @!p0 .LBB2_13-.Ltmp1, $3  }
0x1c: {  	_ =	sdelay $0x1  }
0x1d: {  	[sflag:s1] =	ssyncset.done $0x0  }
0x1e: {  	[sflag:s1] =	ssyncadd.s32 $0xFFFFF000  }
.LBB2_1:
0x1f: {  	[dreg:$0x6] =	wrdreg s5  }
0x20: {  	s0 =	rddreg [dreg:$0x4];
	s1 =	simm.s32 $0x9  }
0x21: {  	[tilespmem:s3], [sflag:$0x9] =	stream.linear.gather [hbm4b:s0+s3], $0x6400, $0x38;
	[tilespmem:$0xD600] =	vst v63  }
0x22: {  	_ =	swait.ge [sflag:s1], $0x6400  }
0x23: {  	[sflag:s1] =	ssyncset.done $0x0  }
0x24: {  	s26 =	simm.s32 $0x6400;
	s25 =	rddreg [dreg:$0x3];
	[sflag:s1] =	ssyncadd.s32 $0xFFFF9C00  }
0x25: {  	[tilespmem:s26], [sflag:$0x9] =	stream.linear.gather [hbm4b:s25+s3], $0x3200, $0x38;
	[tilespmem:$0xD600] =	vst v63  }
0x26: {  	s28 =	simm.s32 $0x8400;
	s29 =	simm.s32 $0x100;
	_ =	swait.ge [sflag:s1], $0x3200  }
0x27: {  	s30 =	simm.s32 $0x9400;
	s31 =	simm.s32 $0x180;
	[sflag:s1] =	ssyncset.done $0x0  }
0x28: {  	s10 =	simm.s32 $0x0;
	s0 =	simm.s32 $0x0;
	[sflag:s1] =	ssyncadd.s32 $0xFFFFCE00  }
0x29: {  	[tilespmem:s11], [sflag:$0x1] =	stream.indirect.gather [hbm4b:s4+s14], $0x20, s3, s14, $0xb8;
	[tilespmem:$0xD600] =	vst v63  }
0x2a: {  	s25 =	simm.s32 $0x6480;
	s26 =	simm.s32 $0x7400;
	s1 =	simm.s32 $0x80  }
0x2b: {  	[tilespmem:s12], [sflag:$0x2] =	stream.indirect.gather [hbm4b:s4+s14], $0x20, s14, s14, $0xb8;
	[tilespmem:$0xD600] =	vst v63  }
.LBB2_2:
0x2c: {  	s5 =	smulhi.u32 $0x51EB851F, s0;
	_ =	sdelay $0x1  }
0x2d: {  	s5 =	sshrl.u32 s5, $0x6  }
0x2e: {  	s5 =	smul.u32 $0xFFFF9C00, s5;
	_ =	sdelay $0x1  }
0x2f: {  	s5 =	sshra.s32 s5, $0x2  }
0x30: {  	s5 =	sadd.s32 s5, s25  }
0x31: {  	v0 =	vmov s5;
	_ =	sdelay $0x1  }
0x32: {  	_ =	swait.ge [sflag:s13], $0x1000  }
0x33: {  	[sflag:s13] =	ssyncset.done $0x0  }
0x34: {  	s8 =	simm.s32 $0x0;
	[sflag:s13] =	ssyncadd.s32 $0xFFFFF000  }
0x35: {  	v1 =	vld.idx.msk [tilespmem:v0+s8+$0xFFFFFF80 ss:$0x1], $0xffff;
	_ =	sdelay $0x4  }
0x36: {  	[tilespmem:s8+$0x9600] =	vst.add.f32.msk $0xffff, v1  }
0x37: {  	v1 =	vld.idx.msk [tilespmem:v0+s8+$0xFFFFFF90 ss:$0x1], $0xffff;
	_ =	sdelay $0x4  }
0x38: {  	[tilespmem:s8+$0x9610] =	vst.add.f32.msk $0xffff, v1  }
0x39: {  	v1 =	vld.idx.msk [tilespmem:v0+s8+$0xFFFFFFA0 ss:$0x1], $0xffff;
	_ =	sdelay $0x4  }
0x3a: {  	[tilespmem:s8+$0x9620] =	vst.add.f32.msk $0xffff, v1  }
0x3b: {  	v1 =	vld.idx.msk [tilespmem:v0+s8+$0xFFFFFFB0 ss:$0x1], $0xffff;
	_ =	sdelay $0x4  }
0x3c: {  	[tilespmem:s8+$0x9630] =	vst.add.f32.msk $0xffff, v1  }
0x3d: {  	v1 =	vld.idx.msk [tilespmem:v0+s8+$0xFFFFFFC0 ss:$0x1], $0xffff;
	_ =	sdelay $0x4  }
0x3e: {  	[tilespmem:s8+$0x9640] =	vst.add.f32.msk $0xffff, v1  }
0x3f: {  	v1 =	vld.idx.msk [tilespmem:v0+s8+$0xFFFFFFD0 ss:$0x1], $0xffff;
	_ =	sdelay $0x4  }
0x40: {  	[tilespmem:s8+$0x9650] =	vst.add.f32.msk $0xffff, v1  }
0x41: {  	v1 =	vld.idx.msk [tilespmem:v0+s8+$0xFFFFFFE0 ss:$0x1], $0xffff;
	_ =	sdelay $0x4  }
0x42: {  	[tilespmem:s8+$0x9660] =	vst.add.f32.msk $0xffff, v1  }
0x43: {  	v1 =	vld.idx.msk [tilespmem:v0+s8+$0xFFFFFFF0 ss:$0x1], $0xffff;
	_ =	sdelay $0x4  }
0x44: {  	[tilespmem:s8+$0x9670] =	vst.add.f32.msk $0xffff, v1  }
0x45: {  	v1 =	vld.idx.msk [tilespmem:v0+s8+$0x0 ss:$0x1], $0xffff;
	_ =	sdelay $0x4  }
0x46: {  	[tilespmem:s8+$0x9680] =	vst.add.f32.msk $0xffff, v1  }
0x47: {  	v1 =	vld.idx.msk [tilespmem:v0+s8+$0x10 ss:$0x1], $0xffff;
	_ =	sdelay $0x4  }
0x48: {  	[tilespmem:s8+$0x9690] =	vst.add.f32.msk $0xffff, v1  }
0x49: {  	v1 =	vld.idx.msk [tilespmem:v0+s8+$0x20 ss:$0x1], $0xffff;
	_ =	sdelay $0x4  }
0x4a: {  	[tilespmem:s8+$0x96A0] =	vst.add.f32.msk $0xffff, v1  }
0x4b: {  	v1 =	vld.idx.msk [tilespmem:v0+s8+$0x30 ss:$0x1], $0xffff;
	_ =	sdelay $0x4  }
0x4c: {  	[tilespmem:s8+$0x96B0] =	vst.add.f32.msk $0xffff, v1  }
0x4d: {  	v1 =	vld.idx.msk [tilespmem:v0+s8+$0x40 ss:$0x1], $0xffff;
	_ =	sdelay $0x4  }
0x4e: {  	[tilespmem:s8+$0x96C0] =	vst.add.f32.msk $0xffff, v1  }
0x4f: {  	v1 =	vld.idx.msk [tilespmem:v0+s8+$0x50 ss:$0x1], $0xffff;
	_ =	sdelay $0x4  }
0x50: {  	[tilespmem:s8+$0x96D0] =	vst.add.f32.msk $0xffff, v1  }
0x51: {  	v1 =	vld.idx.msk [tilespmem:v0+s8+$0x60 ss:$0x1], $0xffff;
	_ =	sdelay $0x1  }
0x52: {  	s7 =	smulhi.u32 $0x51EB851F, s29  }
0x53: {  	s9 =	smulhi.u32 $0x51EB851F, s1  }
0x54: {  	s23 =	smulhi.u32 $0x51EB851F, s31;
	s7 =	sshrl.u32 s7, $0x6  }
0x55: {  	s9 =	sshrl.u32 s9, $0x6;
	s7 =	smul.u32 $0xFFFF9C00, s7;
	[tilespmem:s8+$0x96E0] =	vst.add.f32.msk $0xffff, v1  }
0x56: {  	s9 =	smul.u32 $0xFFFF9C00, s9;
	s5 =	sshrl.u32 s23, $0x6;
	v1 =	vld.idx.msk [tilespmem:v0+s8+$0x70 ss:$0x1], $0xffff  }
0x57: {  	s5 =	smul.u32 $0xFFFF9C00, s5  }
0x58: {  	s7 =	sshra.s32 s7, $0x2;
	s24 =	sshra.s32 s9, $0x2  }
0x59: {  	s9 =	simm.s32 $0x400;
	s20 =	sadd.s32 s7, s28;
	s5 =	sshra.s32 s5, $0x2  }
0x5a: {  	s22 =	sadd.s32 s24, s26;
	s7 =	simm.s32 $0x0;
	s5 =	sadd.s32 s5, s30  }
.LBB2_3:
0x5b: {  	s7 =	sadd.s32 $0x8, s7;
	[tilespmem:s8+$0x96F0] =	vst.add.f32.msk $0xffff, v1;
	s8 =	sshra.s32 s9, $0x2  }
0x5c: {  	v1 =	vld.idx.msk [tilespmem:v0+s8+$0xFFFFFF80 ss:$0x1], $0xffff;
	p0 =	slt.u32 s7, $0x78;
	_ =	sdelay $0x5  }
0x5d: {  	[tilespmem:s8+$0x9600] =	vst.add.f32.msk $0xffff, v1  }
0x5e: {  	v1 =	vld.idx.msk [tilespmem:v0+s8+$0xFFFFFF90 ss:$0x1], $0xffff;
	_ =	sdelay $0x5  }
0x5f: {  	[tilespmem:s8+$0x9610] =	vst.add.f32.msk $0xffff, v1  }
0x60: {  	v1 =	vld.idx.msk [tilespmem:v0+s8+$0xFFFFFFA0 ss:$0x1], $0xffff;
	_ =	sdelay $0x5  }
0x61: {  	[tilespmem:s8+$0x9620] =	vst.add.f32.msk $0xffff, v1  }
0x62: {  	v1 =	vld.idx.msk [tilespmem:v0+s8+$0xFFFFFFB0 ss:$0x1], $0xffff;
	_ =	sdelay $0x5  }
0x63: {  	[tilespmem:s8+$0x9630] =	vst.add.f32.msk $0xffff, v1  }
0x64: {  	v1 =	vld.idx.msk [tilespmem:v0+s8+$0xFFFFFFC0 ss:$0x1], $0xffff;
	_ =	sdelay $0x5  }
0x65: {  	[tilespmem:s8+$0x9640] =	vst.add.f32.msk $0xffff, v1  }
0x66: {  	v1 =	vld.idx.msk [tilespmem:v0+s8+$0xFFFFFFD0 ss:$0x1], $0xffff;
	_ =	sdelay $0x5  }
0x67: {  	[tilespmem:s8+$0x9650] =	vst.add.f32.msk $0xffff, v1  }
0x68: {  	v1 =	vld.idx.msk [tilespmem:v0+s8+$0xFFFFFFE0 ss:$0x1], $0xffff;
	_ =	sdelay $0x5  }
0x69: {  	[tilespmem:s8+$0x9660] =	vst.add.f32.msk $0xffff, v1  }
0x6a: {  	v1 =	vld.idx.msk [tilespmem:v0+s8+$0xFFFFFFF0 ss:$0x1], $0xffff;
	_ =	sdelay $0x5  }
0x6b: {  	[tilespmem:s8+$0x9670] =	vst.add.f32.msk $0xffff, v1  }
0x6c: {  	v1 =	vld.idx.msk [tilespmem:v0+s8+$0x0 ss:$0x1], $0xffff;
	_ =	sdelay $0x5  }
0x6d: {  	[tilespmem:s8+$0x9680] =	vst.add.f32.msk $0xffff, v1  }
0x6e: {  	v1 =	vld.idx.msk [tilespmem:v0+s8+$0x10 ss:$0x1], $0xffff;
	_ =	sdelay $0x5  }
0x6f: {  	[tilespmem:s8+$0x9690] =	vst.add.f32.msk $0xffff, v1  }
0x70: {  	v1 =	vld.idx.msk [tilespmem:v0+s8+$0x20 ss:$0x1], $0xffff;
	_ =	sdelay $0x5  }
0x71: {  	[tilespmem:s8+$0x96A0] =	vst.add.f32.msk $0xffff, v1  }
0x72: {  	v1 =	vld.idx.msk [tilespmem:v0+s8+$0x30 ss:$0x1], $0xffff;
	_ =	sdelay $0x5  }
0x73: {  	[tilespmem:s8+$0x96B0] =	vst.add.f32.msk $0xffff, v1  }
0x74: {  	v1 =	vld.idx.msk [tilespmem:v0+s8+$0x40 ss:$0x1], $0xffff;
	_ =	sdelay $0x5  }
0x75: {  	[tilespmem:s8+$0x96C0] =	vst.add.f32.msk $0xffff, v1  }
0x76: {  	v1 =	vld.idx.msk [tilespmem:v0+s8+$0x50 ss:$0x1], $0xffff;
	_ =	sdelay $0x5  }
0x77: {  	[tilespmem:s8+$0x96D0] =	vst.add.f32.msk $0xffff, v1  }
0x78: {  	v1 =	vld.idx.msk [tilespmem:v0+s8+$0x60 ss:$0x1], $0xffff;
	_ =	sdelay $0x5  }
0x79: {  	[tilespmem:s8+$0x96E0] =	vst.add.f32.msk $0xffff, v1  }
0x7a: {  	v1 =	vld.idx.msk [tilespmem:v0+s8+$0x70 ss:$0x1], $0xffff  }
.Ltmp2:
0x7b: {  	(pc) =	sbr.rel @p0 .LBB2_3-.Ltmp2, $2  }
0x7c: {  	_ =	sdelay $0x2  }
0x7d: {  	s9 =	sadd.s32 $0x400, s9  }
0x7e: {  	s7 =	sshll.u32 s10, $0x2  }
0x7f: {  	s9 =	sadd.s32 s6, s7  }
0x80: {  	p0 =	seq.s32 s10, $0x0;
	s9 =	sshll.u32 s9, $0x9  }
0x81: {  	[tilespmem:s8+$0x96F0] =	vst.add.f32.msk $0xffff, v1;
	s23 =	sadd.s32 s2, s9;
	s9 =	simm.s32 @!p0 $0x7  }
0x82: {  	[hbm4b:s23+s3] =	stream.linear.scatter [tilespmem:s11], [sflag:$0x5], $0x1000, $0x38;
	[tilespmem:$0xD600] =	vst v63  }
0x83: {  	s8 =	sor.u32 $0x2, s7;
	_ =	swait.ge @!p0 [sflag:s9], $0x1000  }
0x84: {  	s23 =	sshll.u32 s8, $0x7;
	[sflag:s9] =	ssyncset.done @!p0 $0x0  }
0x85: {  	v0 =	vmov s22;
	s24 =	sand.u32 $0x3FFFFF80, s23;
	[sflag:s9] =	ssyncadd.s32 @!p0 $0xFFFFF000  }
0x86: {  	[tilespmem:s15], [sflag:$0x3] =	stream.indirect.gather [hbm4b:s4+s14], $0x20, s24, s14, $0xb8;
	[tilespmem:$0xD600] =	vst v63  }
0x87: {  	_ =	swait.ge [sflag:s16], $0x1000  }
0x88: {  	[sflag:s16] =	ssyncset.done $0x0  }
0x89: {  	s22 =	simm.s32 $0x0;
	[sflag:s16] =	ssyncadd.s32 $0xFFFFF000  }
0x8a: {  	v1 =	vld.idx.msk [tilespmem:v0+s22+$0x0 ss:$0x1], $0xffff;
	_ =	sdelay $0x4  }
0x8b: {  	[tilespmem:s22+$0xA600] =	vst.add.f32.msk $0xffff, v1  }
0x8c: {  	v1 =	vld.idx.msk [tilespmem:v0+s22+$0x10 ss:$0x1], $0xffff;
	_ =	sdelay $0x4  }
0x8d: {  	[tilespmem:s22+$0xA610] =	vst.add.f32.msk $0xffff, v1  }
0x8e: {  	v1 =	vld.idx.msk [tilespmem:v0+s22+$0x20 ss:$0x1], $0xffff;
	_ =	sdelay $0x4  }
0x8f: {  	[tilespmem:s22+$0xA620] =	vst.add.f32.msk $0xffff, v1  }
0x90: {  	v1 =	vld.idx.msk [tilespmem:v0+s22+$0x30 ss:$0x1], $0xffff;
	_ =	sdelay $0x4  }
0x91: {  	[tilespmem:s22+$0xA630] =	vst.add.f32.msk $0xffff, v1  }
0x92: {  	v1 =	vld.idx.msk [tilespmem:v0+s22+$0x40 ss:$0x1], $0xffff;
	_ =	sdelay $0x4  }
0x93: {  	[tilespmem:s22+$0xA640] =	vst.add.f32.msk $0xffff, v1  }
0x94: {  	v1 =	vld.idx.msk [tilespmem:v0+s22+$0x50 ss:$0x1], $0xffff;
	_ =	sdelay $0x4  }
0x95: {  	[tilespmem:s22+$0xA650] =	vst.add.f32.msk $0xffff, v1  }
0x96: {  	v1 =	vld.idx.msk [tilespmem:v0+s22+$0x60 ss:$0x1], $0xffff;
	_ =	sdelay $0x4  }
0x97: {  	[tilespmem:s22+$0xA660] =	vst.add.f32.msk $0xffff, v1  }
0x98: {  	v1 =	vld.idx.msk [tilespmem:v0+s22+$0x70 ss:$0x1], $0xffff;
	_ =	sdelay $0x4  }
0x99: {  	[tilespmem:s22+$0xA670] =	vst.add.f32.msk $0xffff, v1  }
0x9a: {  	v1 =	vld.idx.msk [tilespmem:v0+s22+$0x80 ss:$0x1], $0xffff;
	_ =	sdelay $0x4  }
0x9b: {  	[tilespmem:s22+$0xA680] =	vst.add.f32.msk $0xffff, v1  }
0x9c: {  	v1 =	vld.idx.msk [tilespmem:v0+s22+$0x90 ss:$0x1], $0xffff;
	_ =	sdelay $0x4  }
0x9d: {  	[tilespmem:s22+$0xA690] =	vst.add.f32.msk $0xffff, v1  }
0x9e: {  	v1 =	vld.idx.msk [tilespmem:v0+s22+$0xA0 ss:$0x1], $0xffff;
	_ =	sdelay $0x4  }
0x9f: {  	[tilespmem:s22+$0xA6A0] =	vst.add.f32.msk $0xffff, v1  }
0xa0: {  	v1 =	vld.idx.msk [tilespmem:v0+s22+$0xB0 ss:$0x1], $0xffff;
	_ =	sdelay $0x4  }
0xa1: {  	[tilespmem:s22+$0xA6B0] =	vst.add.f32.msk $0xffff, v1  }
0xa2: {  	v1 =	vld.idx.msk [tilespmem:v0+s22+$0xC0 ss:$0x1], $0xffff;
	_ =	sdelay $0x4  }
0xa3: {  	[tilespmem:s22+$0xA6C0] =	vst.add.f32.msk $0xffff, v1  }
0xa4: {  	v1 =	vld.idx.msk [tilespmem:v0+s22+$0xD0 ss:$0x1], $0xffff;
	_ =	sdelay $0x4  }
0xa5: {  	[tilespmem:s22+$0xA6D0] =	vst.add.f32.msk $0xffff, v1  }
0xa6: {  	v1 =	vld.idx.msk [tilespmem:v0+s22+$0xE0 ss:$0x1], $0xffff;
	_ =	sdelay $0x4  }
0xa7: {  	[tilespmem:s22+$0xA6E0] =	vst.add.f32.msk $0xffff, v1  }
0xa8: {  	v1 =	vld.idx.msk [tilespmem:v0+s22+$0xF0 ss:$0x1], $0xffff;
	_ =	sdelay $0x3  }
0xa9: {  	s23 =	sor.u32 $0x1, s7;
	s9 =	simm.s32 $0x0;
	s24 =	simm.s32 $0x400  }
.LBB2_5:
0xaa: {  	s9 =	sadd.s32 $0x8, s9;
	[tilespmem:s22+$0xA6F0] =	vst.add.f32.msk $0xffff, v1;
	s22 =	sshra.s32 s24, $0x2  }
0xab: {  	v1 =	vld.idx.msk [tilespmem:v0+s22+$0x0 ss:$0x1], $0xffff;
	p1 =	slt.u32 s9, $0x78;
	_ =	sdelay $0x5  }
0xac: {  	[tilespmem:s22+$0xA600] =	vst.add.f32.msk $0xffff, v1  }
0xad: {  	v1 =	vld.idx.msk [tilespmem:v0+s22+$0x10 ss:$0x1], $0xffff;
	_ =	sdelay $0x5  }
0xae: {  	[tilespmem:s22+$0xA610] =	vst.add.f32.msk $0xffff, v1  }
0xaf: {  	v1 =	vld.idx.msk [tilespmem:v0+s22+$0x20 ss:$0x1], $0xffff;
	_ =	sdelay $0x5  }
0xb0: {  	[tilespmem:s22+$0xA620] =	vst.add.f32.msk $0xffff, v1  }
0xb1: {  	v1 =	vld.idx.msk [tilespmem:v0+s22+$0x30 ss:$0x1], $0xffff;
	_ =	sdelay $0x5  }
0xb2: {  	[tilespmem:s22+$0xA630] =	vst.add.f32.msk $0xffff, v1  }
0xb3: {  	v1 =	vld.idx.msk [tilespmem:v0+s22+$0x40 ss:$0x1], $0xffff;
	_ =	sdelay $0x5  }
0xb4: {  	[tilespmem:s22+$0xA640] =	vst.add.f32.msk $0xffff, v1  }
0xb5: {  	v1 =	vld.idx.msk [tilespmem:v0+s22+$0x50 ss:$0x1], $0xffff;
	_ =	sdelay $0x5  }
0xb6: {  	[tilespmem:s22+$0xA650] =	vst.add.f32.msk $0xffff, v1  }
0xb7: {  	v1 =	vld.idx.msk [tilespmem:v0+s22+$0x60 ss:$0x1], $0xffff;
	_ =	sdelay $0x5  }
0xb8: {  	[tilespmem:s22+$0xA660] =	vst.add.f32.msk $0xffff, v1  }
0xb9: {  	v1 =	vld.idx.msk [tilespmem:v0+s22+$0x70 ss:$0x1], $0xffff;
	_ =	sdelay $0x5  }
0xba: {  	[tilespmem:s22+$0xA670] =	vst.add.f32.msk $0xffff, v1  }
0xbb: {  	v1 =	vld.idx.msk [tilespmem:v0+s22+$0x80 ss:$0x1], $0xffff;
	_ =	sdelay $0x5  }
0xbc: {  	[tilespmem:s22+$0xA680] =	vst.add.f32.msk $0xffff, v1  }
0xbd: {  	v1 =	vld.idx.msk [tilespmem:v0+s22+$0x90 ss:$0x1], $0xffff;
	_ =	sdelay $0x5  }
0xbe: {  	[tilespmem:s22+$0xA690] =	vst.add.f32.msk $0xffff, v1  }
0xbf: {  	v1 =	vld.idx.msk [tilespmem:v0+s22+$0xA0 ss:$0x1], $0xffff;
	_ =	sdelay $0x5  }
0xc0: {  	[tilespmem:s22+$0xA6A0] =	vst.add.f32.msk $0xffff, v1  }
0xc1: {  	v1 =	vld.idx.msk [tilespmem:v0+s22+$0xB0 ss:$0x1], $0xffff;
	_ =	sdelay $0x5  }
0xc2: {  	[tilespmem:s22+$0xA6B0] =	vst.add.f32.msk $0xffff, v1  }
0xc3: {  	v1 =	vld.idx.msk [tilespmem:v0+s22+$0xC0 ss:$0x1], $0xffff;
	_ =	sdelay $0x5  }
0xc4: {  	[tilespmem:s22+$0xA6C0] =	vst.add.f32.msk $0xffff, v1  }
0xc5: {  	v1 =	vld.idx.msk [tilespmem:v0+s22+$0xD0 ss:$0x1], $0xffff;
	_ =	sdelay $0x5  }
0xc6: {  	[tilespmem:s22+$0xA6D0] =	vst.add.f32.msk $0xffff, v1  }
0xc7: {  	v1 =	vld.idx.msk [tilespmem:v0+s22+$0xE0 ss:$0x1], $0xffff;
	_ =	sdelay $0x5  }
0xc8: {  	[tilespmem:s22+$0xA6E0] =	vst.add.f32.msk $0xffff, v1  }
0xc9: {  	v1 =	vld.idx.msk [tilespmem:v0+s22+$0xF0 ss:$0x1], $0xffff  }
.Ltmp3:
0xca: {  	(pc) =	sbr.rel @p1 .LBB2_5-.Ltmp3, $2  }
0xcb: {  	_ =	sdelay $0x2  }
0xcc: {  	s24 =	sadd.s32 $0x400, s24  }
0xcd: {  	s9 =	sadd.s32 s6, s23  }
0xce: {  	s9 =	sshll.u32 s9, $0x9  }
0xcf: {  	s9 =	sand.u32 $0x1FFFFA00, s9  }
0xd0: {  	[tilespmem:s22+$0xA6F0] =	vst.add.f32.msk $0xffff, v1;
	s9 =	sadd.s32 s2, s9  }
0xd1: {  	[hbm4b:s9+s3] =	stream.linear.scatter [tilespmem:s12], [sflag:$0x6], $0x1000, $0x38;
	[tilespmem:$0xD600] =	vst v63  }
0xd2: {  	s9 =	simm.s32 @!p0 $0x8  }
0xd3: {  	s7 =	sor.u32 $0x3, s7;
	_ =	swait.ge @!p0 [sflag:s9], $0x1000  }
0xd4: {  	s23 =	sshll.u32 s7, $0x7;
	[sflag:s9] =	ssyncset.done @!p0 $0x0  }
0xd5: {  	v0 =	vmov s20;
	s24 =	sand.u32 $0x3FFFFF80, s23;
	[sflag:s9] =	ssyncadd.s32 @!p0 $0xFFFFF000  }
0xd6: {  	[tilespmem:s17], [sflag:$0x4] =	stream.indirect.gather [hbm4b:s4+s14], $0x20, s24, s14, $0xb8;
	[tilespmem:$0xD600] =	vst v63  }
0xd7: {  	_ =	swait.ge [sflag:s18], $0x1000  }
0xd8: {  	[sflag:s18] =	ssyncset.done $0x0  }
0xd9: {  	s20 =	simm.s32 $0x0;
	[sflag:s18] =	ssyncadd.s32 $0xFFFFF000  }
0xda: {  	v1 =	vld.idx.msk [tilespmem:v0+s20+$0x0 ss:$0x1], $0xffff;
	_ =	sdelay $0x4  }
0xdb: {  	[tilespmem:s20+$0xB600] =	vst.add.f32.msk $0xffff, v1  }
0xdc: {  	v1 =	vld.idx.msk [tilespmem:v0+s20+$0x10 ss:$0x1], $0xffff;
	_ =	sdelay $0x4  }
0xdd: {  	[tilespmem:s20+$0xB610] =	vst.add.f32.msk $0xffff, v1  }
0xde: {  	v1 =	vld.idx.msk [tilespmem:v0+s20+$0x20 ss:$0x1], $0xffff;
	_ =	sdelay $0x4  }
0xdf: {  	[tilespmem:s20+$0xB620] =	vst.add.f32.msk $0xffff, v1  }
0xe0: {  	v1 =	vld.idx.msk [tilespmem:v0+s20+$0x30 ss:$0x1], $0xffff;
	_ =	sdelay $0x4  }
0xe1: {  	[tilespmem:s20+$0xB630] =	vst.add.f32.msk $0xffff, v1  }
0xe2: {  	v1 =	vld.idx.msk [tilespmem:v0+s20+$0x40 ss:$0x1], $0xffff;
	_ =	sdelay $0x4  }
0xe3: {  	[tilespmem:s20+$0xB640] =	vst.add.f32.msk $0xffff, v1  }
0xe4: {  	v1 =	vld.idx.msk [tilespmem:v0+s20+$0x50 ss:$0x1], $0xffff;
	_ =	sdelay $0x4  }
0xe5: {  	[tilespmem:s20+$0xB650] =	vst.add.f32.msk $0xffff, v1  }
0xe6: {  	v1 =	vld.idx.msk [tilespmem:v0+s20+$0x60 ss:$0x1], $0xffff;
	_ =	sdelay $0x4  }
0xe7: {  	[tilespmem:s20+$0xB660] =	vst.add.f32.msk $0xffff, v1  }
0xe8: {  	v1 =	vld.idx.msk [tilespmem:v0+s20+$0x70 ss:$0x1], $0xffff;
	_ =	sdelay $0x4  }
0xe9: {  	[tilespmem:s20+$0xB670] =	vst.add.f32.msk $0xffff, v1  }
0xea: {  	v1 =	vld.idx.msk [tilespmem:v0+s20+$0x80 ss:$0x1], $0xffff;
	_ =	sdelay $0x4  }
0xeb: {  	[tilespmem:s20+$0xB680] =	vst.add.f32.msk $0xffff, v1  }
0xec: {  	v1 =	vld.idx.msk [tilespmem:v0+s20+$0x90 ss:$0x1], $0xffff;
	_ =	sdelay $0x4  }
0xed: {  	[tilespmem:s20+$0xB690] =	vst.add.f32.msk $0xffff, v1  }
0xee: {  	v1 =	vld.idx.msk [tilespmem:v0+s20+$0xA0 ss:$0x1], $0xffff;
	_ =	sdelay $0x4  }
0xef: {  	[tilespmem:s20+$0xB6A0] =	vst.add.f32.msk $0xffff, v1  }
0xf0: {  	v1 =	vld.idx.msk [tilespmem:v0+s20+$0xB0 ss:$0x1], $0xffff;
	_ =	sdelay $0x4  }
0xf1: {  	[tilespmem:s20+$0xB6B0] =	vst.add.f32.msk $0xffff, v1  }
0xf2: {  	v1 =	vld.idx.msk [tilespmem:v0+s20+$0xC0 ss:$0x1], $0xffff;
	_ =	sdelay $0x4  }
0xf3: {  	[tilespmem:s20+$0xB6C0] =	vst.add.f32.msk $0xffff, v1  }
0xf4: {  	v1 =	vld.idx.msk [tilespmem:v0+s20+$0xD0 ss:$0x1], $0xffff;
	_ =	sdelay $0x4  }
0xf5: {  	[tilespmem:s20+$0xB6D0] =	vst.add.f32.msk $0xffff, v1  }
0xf6: {  	v1 =	vld.idx.msk [tilespmem:v0+s20+$0xE0 ss:$0x1], $0xffff;
	_ =	sdelay $0x4  }
0xf7: {  	[tilespmem:s20+$0xB6E0] =	vst.add.f32.msk $0xffff, v1  }
0xf8: {  	v1 =	vld.idx.msk [tilespmem:v0+s20+$0xF0 ss:$0x1], $0xffff;
	_ =	sdelay $0x3  }
0xf9: {  	s22 =	simm.s32 $0x400;
	s9 =	simm.s32 $0x0  }
.LBB2_7:
0xfa: {  	s9 =	sadd.s32 $0x8, s9;
	[tilespmem:s20+$0xB6F0] =	vst.add.f32.msk $0xffff, v1;
	s20 =	sshra.s32 s22, $0x2  }
0xfb: {  	v1 =	vld.idx.msk [tilespmem:v0+s20+$0x0 ss:$0x1], $0xffff;
	p0 =	slt.u32 s9, $0x78;
	_ =	sdelay $0x5  }
0xfc: {  	[tilespmem:s20+$0xB600] =	vst.add.f32.msk $0xffff, v1  }
0xfd: {  	v1 =	vld.idx.msk [tilespmem:v0+s20+$0x10 ss:$0x1], $0xffff;
	_ =	sdelay $0x5  }
0xfe: {  	[tilespmem:s20+$0xB610] =	vst.add.f32.msk $0xffff, v1  }
0xff: {  	v1 =	vld.idx.msk [tilespmem:v0+s20+$0x20 ss:$0x1], $0xffff;
	_ =	sdelay $0x5  }
0x100: {  	[tilespmem:s20+$0xB620] =	vst.add.f32.msk $0xffff, v1  }
0x101: {  	v1 =	vld.idx.msk [tilespmem:v0+s20+$0x30 ss:$0x1], $0xffff;
	_ =	sdelay $0x5  }
0x102: {  	[tilespmem:s20+$0xB630] =	vst.add.f32.msk $0xffff, v1  }
0x103: {  	v1 =	vld.idx.msk [tilespmem:v0+s20+$0x40 ss:$0x1], $0xffff;
	_ =	sdelay $0x5  }
0x104: {  	[tilespmem:s20+$0xB640] =	vst.add.f32.msk $0xffff, v1  }
0x105: {  	v1 =	vld.idx.msk [tilespmem:v0+s20+$0x50 ss:$0x1], $0xffff;
	_ =	sdelay $0x5  }
0x106: {  	[tilespmem:s20+$0xB650] =	vst.add.f32.msk $0xffff, v1  }
0x107: {  	v1 =	vld.idx.msk [tilespmem:v0+s20+$0x60 ss:$0x1], $0xffff;
	_ =	sdelay $0x5  }
0x108: {  	[tilespmem:s20+$0xB660] =	vst.add.f32.msk $0xffff, v1  }
0x109: {  	v1 =	vld.idx.msk [tilespmem:v0+s20+$0x70 ss:$0x1], $0xffff;
	_ =	sdelay $0x5  }
0x10a: {  	[tilespmem:s20+$0xB670] =	vst.add.f32.msk $0xffff, v1  }
0x10b: {  	v1 =	vld.idx.msk [tilespmem:v0+s20+$0x80 ss:$0x1], $0xffff;
	_ =	sdelay $0x5  }
0x10c: {  	[tilespmem:s20+$0xB680] =	vst.add.f32.msk $0xffff, v1  }
0x10d: {  	v1 =	vld.idx.msk [tilespmem:v0+s20+$0x90 ss:$0x1], $0xffff;
	_ =	sdelay $0x5  }
0x10e: {  	[tilespmem:s20+$0xB690] =	vst.add.f32.msk $0xffff, v1  }
0x10f: {  	v1 =	vld.idx.msk [tilespmem:v0+s20+$0xA0 ss:$0x1], $0xffff;
	_ =	sdelay $0x5  }
0x110: {  	[tilespmem:s20+$0xB6A0] =	vst.add.f32.msk $0xffff, v1  }
0x111: {  	v1 =	vld.idx.msk [tilespmem:v0+s20+$0xB0 ss:$0x1], $0xffff;
	_ =	sdelay $0x5  }
0x112: {  	[tilespmem:s20+$0xB6B0] =	vst.add.f32.msk $0xffff, v1  }
0x113: {  	v1 =	vld.idx.msk [tilespmem:v0+s20+$0xC0 ss:$0x1], $0xffff;
	_ =	sdelay $0x5  }
0x114: {  	[tilespmem:s20+$0xB6C0] =	vst.add.f32.msk $0xffff, v1  }
0x115: {  	v1 =	vld.idx.msk [tilespmem:v0+s20+$0xD0 ss:$0x1], $0xffff;
	_ =	sdelay $0x5  }
0x116: {  	[tilespmem:s20+$0xB6D0] =	vst.add.f32.msk $0xffff, v1  }
0x117: {  	v1 =	vld.idx.msk [tilespmem:v0+s20+$0xE0 ss:$0x1], $0xffff;
	_ =	sdelay $0x5  }
0x118: {  	[tilespmem:s20+$0xB6E0] =	vst.add.f32.msk $0xffff, v1  }
0x119: {  	v1 =	vld.idx.msk [tilespmem:v0+s20+$0xF0 ss:$0x1], $0xffff  }
.Ltmp4:
0x11a: {  	(pc) =	sbr.rel @p0 .LBB2_7-.Ltmp4, $2  }
0x11b: {  	_ =	sdelay $0x2  }
0x11c: {  	s22 =	sadd.s32 $0x400, s22  }
0x11d: {  	s8 =	sadd.s32 s6, s8  }
0x11e: {  	s8 =	sshll.u32 s8, $0x9  }
0x11f: {  	s8 =	sand.u32 $0x1FFFFC00, s8  }
0x120: {  	[tilespmem:s20+$0xB6F0] =	vst.add.f32.msk $0xffff, v1;
	p0 =	seq.s32 s10, $0x31;
	s8 =	sadd.s32 s2, s8  }
0x121: {  	[hbm4b:s8+s3] =	stream.linear.scatter [tilespmem:s15], [sflag:$0x7], $0x1000, $0x38;
	[tilespmem:$0xD600] =	vst v63  }
0x122: {  	s8 =	simm.s32 @!p0 $0x5  }
0x123: {  	_ =	swait.ge @!p0 [sflag:s8], $0x1000  }
0x124: {  	s9 =	sshll.u32 @!p0 s10, $0x9;
	[sflag:s8] =	ssyncset.done @!p0 $0x0  }
0x125: {  	[sflag:s8] =	ssyncadd.s32 @!p0 $0xFFFFF000;
	s8 =	sand.u32 @!p0 $0x3FFFFE00, s9  }
0x126: {  	v0 =	vmov s5;
	s20 =	simm.s32 @!p0 $0x9600;
	s9 =	simm.s32 @!p0 $0x80;
	s8 =	sadd.s32 @!p0 $0x200, s8  }
0x127: {  	[tilespmem:s20], [sflag:$0x1] =	stream.indirect.gather @!p0 [hbm4b:s4+s9], $0x20, s8, s9, $0xb8;
	[tilespmem:$0xD600] =	vst v63  }
0x128: {  	_ =	swait.ge [sflag:s19], $0x1000  }
0x129: {  	[sflag:s19] =	ssyncset.done $0x0  }
0x12a: {  	s5 =	simm.s32 $0x0;
	[sflag:s19] =	ssyncadd.s32 $0xFFFFF000  }
0x12b: {  	v1 =	vld.idx.msk [tilespmem:v0+s5+$0x0 ss:$0x1], $0xffff;
	_ =	sdelay $0x4  }
0x12c: {  	[tilespmem:s5+$0xC600] =	vst.add.f32.msk $0xffff, v1  }
0x12d: {  	v1 =	vld.idx.msk [tilespmem:v0+s5+$0x10 ss:$0x1], $0xffff;
	_ =	sdelay $0x4  }
0x12e: {  	[tilespmem:s5+$0xC610] =	vst.add.f32.msk $0xffff, v1  }
0x12f: {  	v1 =	vld.idx.msk [tilespmem:v0+s5+$0x20 ss:$0x1], $0xffff;
	_ =	sdelay $0x4  }
0x130: {  	[tilespmem:s5+$0xC620] =	vst.add.f32.msk $0xffff, v1  }
0x131: {  	v1 =	vld.idx.msk [tilespmem:v0+s5+$0x30 ss:$0x1], $0xffff;
	_ =	sdelay $0x4  }
0x132: {  	[tilespmem:s5+$0xC630] =	vst.add.f32.msk $0xffff, v1  }
0x133: {  	v1 =	vld.idx.msk [tilespmem:v0+s5+$0x40 ss:$0x1], $0xffff;
	_ =	sdelay $0x4  }
0x134: {  	[tilespmem:s5+$0xC640] =	vst.add.f32.msk $0xffff, v1  }
0x135: {  	v1 =	vld.idx.msk [tilespmem:v0+s5+$0x50 ss:$0x1], $0xffff;
	_ =	sdelay $0x4  }
0x136: {  	[tilespmem:s5+$0xC650] =	vst.add.f32.msk $0xffff, v1  }
0x137: {  	v1 =	vld.idx.msk [tilespmem:v0+s5+$0x60 ss:$0x1], $0xffff;
	_ =	sdelay $0x4  }
0x138: {  	[tilespmem:s5+$0xC660] =	vst.add.f32.msk $0xffff, v1  }
0x139: {  	v1 =	vld.idx.msk [tilespmem:v0+s5+$0x70 ss:$0x1], $0xffff;
	_ =	sdelay $0x4  }
0x13a: {  	[tilespmem:s5+$0xC670] =	vst.add.f32.msk $0xffff, v1  }
0x13b: {  	v1 =	vld.idx.msk [tilespmem:v0+s5+$0x80 ss:$0x1], $0xffff;
	_ =	sdelay $0x4  }
0x13c: {  	[tilespmem:s5+$0xC680] =	vst.add.f32.msk $0xffff, v1  }
0x13d: {  	v1 =	vld.idx.msk [tilespmem:v0+s5+$0x90 ss:$0x1], $0xffff;
	_ =	sdelay $0x4  }
0x13e: {  	[tilespmem:s5+$0xC690] =	vst.add.f32.msk $0xffff, v1  }
0x13f: {  	v1 =	vld.idx.msk [tilespmem:v0+s5+$0xA0 ss:$0x1], $0xffff;
	_ =	sdelay $0x4  }
0x140: {  	[tilespmem:s5+$0xC6A0] =	vst.add.f32.msk $0xffff, v1  }
0x141: {  	v1 =	vld.idx.msk [tilespmem:v0+s5+$0xB0 ss:$0x1], $0xffff;
	_ =	sdelay $0x4  }
0x142: {  	[tilespmem:s5+$0xC6B0] =	vst.add.f32.msk $0xffff, v1  }
0x143: {  	v1 =	vld.idx.msk [tilespmem:v0+s5+$0xC0 ss:$0x1], $0xffff;
	_ =	sdelay $0x4  }
0x144: {  	[tilespmem:s5+$0xC6C0] =	vst.add.f32.msk $0xffff, v1  }
0x145: {  	v1 =	vld.idx.msk [tilespmem:v0+s5+$0xD0 ss:$0x1], $0xffff;
	_ =	sdelay $0x4  }
0x146: {  	[tilespmem:s5+$0xC6D0] =	vst.add.f32.msk $0xffff, v1  }
0x147: {  	v1 =	vld.idx.msk [tilespmem:v0+s5+$0xE0 ss:$0x1], $0xffff;
	_ =	sdelay $0x4  }
0x148: {  	[tilespmem:s5+$0xC6E0] =	vst.add.f32.msk $0xffff, v1  }
0x149: {  	v1 =	vld.idx.msk [tilespmem:v0+s5+$0xF0 ss:$0x1], $0xffff;
	_ =	sdelay $0x3  }
0x14a: {  	s8 =	simm.s32 $0x0;
	s9 =	simm.s32 $0x400  }
.LBB2_9:
0x14b: {  	s8 =	sadd.s32 $0x8, s8;
	[tilespmem:s5+$0xC6F0] =	vst.add.f32.msk $0xffff, v1;
	s5 =	sshra.s32 s9, $0x2  }
0x14c: {  	v1 =	vld.idx.msk [tilespmem:v0+s5+$0x0 ss:$0x1], $0xffff;
	p1 =	slt.u32 s8, $0x78;
	_ =	sdelay $0x5  }
0x14d: {  	[tilespmem:s5+$0xC600] =	vst.add.f32.msk $0xffff, v1  }
0x14e: {  	v1 =	vld.idx.msk [tilespmem:v0+s5+$0x10 ss:$0x1], $0xffff;
	_ =	sdelay $0x5  }
0x14f: {  	[tilespmem:s5+$0xC610] =	vst.add.f32.msk $0xffff, v1  }
0x150: {  	v1 =	vld.idx.msk [tilespmem:v0+s5+$0x20 ss:$0x1], $0xffff;
	_ =	sdelay $0x5  }
0x151: {  	[tilespmem:s5+$0xC620] =	vst.add.f32.msk $0xffff, v1  }
0x152: {  	v1 =	vld.idx.msk [tilespmem:v0+s5+$0x30 ss:$0x1], $0xffff;
	_ =	sdelay $0x5  }
0x153: {  	[tilespmem:s5+$0xC630] =	vst.add.f32.msk $0xffff, v1  }
0x154: {  	v1 =	vld.idx.msk [tilespmem:v0+s5+$0x40 ss:$0x1], $0xffff;
	_ =	sdelay $0x5  }
0x155: {  	[tilespmem:s5+$0xC640] =	vst.add.f32.msk $0xffff, v1  }
0x156: {  	v1 =	vld.idx.msk [tilespmem:v0+s5+$0x50 ss:$0x1], $0xffff;
	_ =	sdelay $0x5  }
0x157: {  	[tilespmem:s5+$0xC650] =	vst.add.f32.msk $0xffff, v1  }
0x158: {  	v1 =	vld.idx.msk [tilespmem:v0+s5+$0x60 ss:$0x1], $0xffff;
	_ =	sdelay $0x5  }
0x159: {  	[tilespmem:s5+$0xC660] =	vst.add.f32.msk $0xffff, v1  }
0x15a: {  	v1 =	vld.idx.msk [tilespmem:v0+s5+$0x70 ss:$0x1], $0xffff;
	_ =	sdelay $0x5  }
0x15b: {  	[tilespmem:s5+$0xC670] =	vst.add.f32.msk $0xffff, v1  }
0x15c: {  	v1 =	vld.idx.msk [tilespmem:v0+s5+$0x80 ss:$0x1], $0xffff;
	_ =	sdelay $0x5  }
0x15d: {  	[tilespmem:s5+$0xC680] =	vst.add.f32.msk $0xffff, v1  }
0x15e: {  	v1 =	vld.idx.msk [tilespmem:v0+s5+$0x90 ss:$0x1], $0xffff;
	_ =	sdelay $0x5  }
0x15f: {  	[tilespmem:s5+$0xC690] =	vst.add.f32.msk $0xffff, v1  }
0x160: {  	v1 =	vld.idx.msk [tilespmem:v0+s5+$0xA0 ss:$0x1], $0xffff;
	_ =	sdelay $0x5  }
0x161: {  	[tilespmem:s5+$0xC6A0] =	vst.add.f32.msk $0xffff, v1  }
0x162: {  	v1 =	vld.idx.msk [tilespmem:v0+s5+$0xB0 ss:$0x1], $0xffff;
	_ =	sdelay $0x5  }
0x163: {  	[tilespmem:s5+$0xC6B0] =	vst.add.f32.msk $0xffff, v1  }
0x164: {  	v1 =	vld.idx.msk [tilespmem:v0+s5+$0xC0 ss:$0x1], $0xffff;
	_ =	sdelay $0x5  }
0x165: {  	[tilespmem:s5+$0xC6C0] =	vst.add.f32.msk $0xffff, v1  }
0x166: {  	v1 =	vld.idx.msk [tilespmem:v0+s5+$0xD0 ss:$0x1], $0xffff;
	_ =	sdelay $0x5  }
0x167: {  	[tilespmem:s5+$0xC6D0] =	vst.add.f32.msk $0xffff, v1  }
0x168: {  	v1 =	vld.idx.msk [tilespmem:v0+s5+$0xE0 ss:$0x1], $0xffff;
	_ =	sdelay $0x5  }
0x169: {  	[tilespmem:s5+$0xC6E0] =	vst.add.f32.msk $0xffff, v1  }
0x16a: {  	v1 =	vld.idx.msk [tilespmem:v0+s5+$0xF0 ss:$0x1], $0xffff  }
.Ltmp5:
0x16b: {  	(pc) =	sbr.rel @p1 .LBB2_9-.Ltmp5, $2  }
0x16c: {  	_ =	sdelay $0x2  }
0x16d: {  	s9 =	sadd.s32 $0x400, s9  }
.Ltmp6:
0x16e: {  	s7 =	sadd.s32 s6, s7;
	(pc) =	sbr.rel @p0 .LBB2_12-.Ltmp6, $4  }
0x16f: {  	s7 =	sshll.u32 s7, $0x9  }
0x170: {  	s7 =	sand.u32 $0x1FFFFE00, s7  }
0x171: {  	[tilespmem:s5+$0xC6F0] =	vst.add.f32.msk $0xffff, v1;
	s24 =	sadd.s32 s2, s7  }
0x172: {  	[hbm4b:s24+s3] =	stream.linear.scatter [tilespmem:s17], [sflag:$0x8], $0x1000, $0x38;
	[tilespmem:$0xD600] =	vst v63  }
0x173: {  	_ =	swait.ge [sflag:s21], $0x1000  }
0x174: {  	s5 =	sshll.u32 s10, $0x9;
	s10 =	sadd.s32 $0x1, s10;
	s25 =	sadd.s32 $0x4000, s25  }
.Ltmp7:
0x175: {  	s0 =	sadd.s32 $0x200, s0;
	s26 =	sadd.s32 $0x4000, s26;
	(pc) =	sbr.rel .LBB2_2-.Ltmp7, $4  }
0x176: {  	s1 =	sadd.s32 $0x200, s1;
	s28 =	sadd.s32 $0x4000, s28;
	s29 =	sadd.s32 $0x200, s29  }
0x177: {  	s30 =	sadd.s32 $0x4000, s30;
	[sflag:s21] =	ssyncset.done $0x0;
	s5 =	sand.u32 $0x3FFFFE00, s5  }
0x178: {  	s31 =	sadd.s32 $0x200, s31;
	[sflag:s21] =	ssyncadd.s32 $0xFFFFF000;
	s5 =	sadd.s32 $0x280, s5  }
0x179: {  	[tilespmem:s12], [sflag:$0x2] =	stream.indirect.gather [hbm4b:s4+s14], $0x20, s5, s14, $0xb8;
	[tilespmem:$0xD600] =	vst v63  }
.LBB2_13:
0x17a: {  	_ =	sfence.sel $0x180000  }
0x17b: {  	[bflag:$0x0] =	sbarrier.arrive $0xFFFF  }
0x17c: {  	_ =	strace $0x90000047  }
0x17d: {  	s0 =	stileid.u32;
	[bflag:$0x2] =	sbarrier.arrive $0xFFFF  }
0x17e: {  	p0 =	sne.s32 s0, $0x0;
	s0 =	rddreg [dreg:$0x2]  }
0x17f: {  	s0 =	sadd.s32 @!p0 $0x100000, s0  }
0x180: {  	[sflag:s0] =	ssyncadd.tile.s32 @!p0 $0x1;
	_ =	shalt  }
.Lfunc_end2:
_tile_overlayer_lowered:
.L_overlay_start_2:
0x181: {  	(tag) =	ssettag $0x2  }
0x182: {  	s0 =	rddreg [dreg:$0x0];
	s2 =	stileid.u32  }
0x183: {  	s1 =	rddreg [dreg:$0x1];
	p0 =	sne.s32 s2, $0x0  }
0x184: {  	s3 =	rddreg [dreg:$0x2];
	[bflag:$0x3] =	sbarrier.arrive $0xFFFF;
	s2 =	simm.s32 @!p0 $0x1C09  }
0x185: {  	[timem:s3], [sflag:s2] =	dma.local @!p0 [hbm:s0], s1  }
0x186: {  	s0 =	simm.s32 @!p0 $0x9  }
0x187: {  	_ =	swait.ge @!p0 [sflag:s0], s1  }
0x188: {  	s1 =	ssub.s32 @!p0 $0x0, s1;
	[sflag:s0] =	ssyncset.done @!p0 $0x0  }
0x189: {  	[sflag:s0] =	ssyncadd.s32 @!p0 s1  }
0x18a: {  	[bflag:$0x3] =	sbarrier.arrive $0xFFFF  }
0x18b: {  	_ =	shalt  }

// kernel: sparse-core-data-format-call.cloned.1.call-start
scs
called_computation_lowered:
.L_overlay_start_0:
0x0: {  	s2 =	sld [smem:$0x3FD9]  }
0x1: {  	s3 =	sld [smem:$0x3FFE];
	_ =	sdelay $0x1  }
0x2: {  	s1 =	srdreg.scid  }
0x3: {  	s0 =	sand.u32 $0x1, s1  }
0x4: {  	s18 =	sshll.u32 s0, $0xA;
	s2 =	sadd.s32 s3, s2  }
0x5: {  	s2 =	sadd.s32 s2, s18  }
0x6: {  	[smem:$0x3FC5] =	sst s2  }
0x7: {  	_ = 	snop  }
0x8: {  	s2 =	sld [smem:$0x3FD0];
	(tm) =	ssettm $0x1  }
0x9: {  	s19 =	sld [smem:$0x3FFB];
	_ =	sdelay $0x3  }
0xa: {  	_ =	strace s19  }
0xb: {  	s3 =	sld [smem:$0x3FFC];
	_ =	sdelay $0x3  }
0xc: {  	_ =	strace s3  }
0xd: {  	s3 =	sld [smem:$0x3FFD];
	_ =	sdelay $0x3  }
0xe: {  	_ =	strace s3  }
0xf: {  	_ =	strace $0x8FFFFFFF  }
0x10: {  	s20 =	sld [smem:$0x3FDB];
	_ =	sdelay $0x1  }
0x11: {  	s4 =	simm.s32 $_scs_section_size  }
0x12: {  	s5 =	simm.s32 $_size__tile_overlayer_lowered;
	s6 =	simm.s32 $_tile_overlayer_lowered  }
0x13: {  	s23 =	simm.s32 $0x1BFF;
	s22 =	sshll.u32 s6, $0x1;
	s3 =	sadd.s32 s4, s20  }
0x14: {  	s7 =	simm.s32 $0x0;
	s21 =	sshll.u32 s5, $0x1;
	s5 =	sadd.s32 s22, s3  }
0x15: {  	[timem:s7], [sflag:s23] =	dma.local [hbm:s5], s21  }
0x16: {  	_ =	swait.ge [sflag:s23], s21  }
0x17: {  	s4 =	ssub.s32 $0x0, s21;
	[sflag:s23] =	ssyncset.done $0x0  }
0x18: {  	[sflag:s23] =	ssyncadd.s32 s4;
	_ =	sdelay $0x1  }
0x19: {  	s24 =	simm.s32 $0x1B8B  }
0x1a: {  	_ =	swait.ge [sflag:s24], $0x1  }
0x1b: {  	[sflag:s24] =	ssyncset.done $0x0  }
0x1c: {  	s26 =	simm.s32 $0x1B8E;
	s25 =	sld [smem:$0x3FFE];
	[sflag:s24] =	ssyncadd.s32 $0xFFFFFFFF  }
0x1d: {  	s27 =	simm.s32 $execute0_lowered;
	[smem:$0x3FD2] =	sst s26  }
0x1e: {  	s5 =	sshll.u32 s27, $0x1;
	_ =	strace $0x80000049;
	[dreg:$0x1] =	wrdreg $0xFFFFFFFF  }
0x1f: {  	s28 =	simm.s32 $_size_execute0_lowered;
	s3 =	sadd.s32 s3, s5;
	[dreg:$0x0] =	wrdreg $0x0  }
0x20: {  	s5 =	sshll.u32 s28, $0x1;
	[dreg:$0x2] =	wrdreg s3  }
0x21: {  	[dreg:$0x3] =	wrdreg s5  }
0x22: {  	[dreg:$0x4] =	wrdreg $0xC0  }
0x23: {  	_ =	task [dreg:s7], $0x5FFFF  }
0x24: {  	[dreg:$0x1] =	wrdreg $0xFFFFFFFF  }
0x25: {  	[dreg:$0x0] =	wrdreg $0x60  }
0x26: {  	[dreg:$0x2] =	wrdreg s25  }
0x27: {  	[dreg:$0x3] =	wrdreg s2  }
0x28: {  	[dreg:$0x4] =	wrdreg $0x9  }
0x29: {  	_ =	task.clear_ibuf [dreg:s7], $0x5FFFF;
	_ =	strace $0x90000049  }
0x2a: {  	s29 =	simm.s32 $0x9;
	_ =	strace $0x8000004B  }
0x2b: {  	_ =	swait.ge [sflag:s29], $0x1  }
0x2c: {  	[sflag:s29] =	ssyncadd.s32 $0xFFFFFFFF  }
0x2d: {  	_ =	strace $0x9000004B  }
0x2e: {  	_ =	sfence  }
0x2f: {  	s30 =	sld [smem:$0x0];
	_ =	sdelay $0x2  }
0x30: {  	s31 =	sshll.u32 s1, $0xD;
	s1 =	sshrl.u32 s1, $0x2  }
0x31: {  	s3 =	sand.u32 $0x4000, s31;
	s1 =	sadd.s32 s1, s30  }
0x32: {  	s0 =	sor.u32 s3, s0;
	s1 =	sshll.u32 s1, $0x11  }
0x33: {  	s0 =	sor.u32 s1, s0  }
0x34: {  	s0 =	sadd.s32 $0x8F2B, s0  }
0x35: {  	[sflag:s0] =	ssyncadd.remote.s32 $0x1  }
0x36: {  	_ =	sfence.sel $0xFFFF  }
0x37: {  	[dreg:$0x0] =	wrdreg $0xFFFFFFFF;
	(pc) =	sbr.abs _section_cstart, $3  }
0x38: {  	[dreg:$0x1] =	wrdreg $0xFFFFFFFF  }
0x39: {  	_ =	task.clear_ibuf [dreg:s7], $0x2FFFF;
	_ =	strace $0x9FFFFFFF  }
0x3a: {  	(tm) =	ssettm $0x7FFFFFFF  }
0x3b: {  	_ =	shalt  }
tec
execute0_lowered:
.L_overlay_start_1:
0x0: {  	(tag) =	ssettag $0x1  }
0x1: {  	s0 =	srdreg.scid  }
0x2: {  	s1 =	sshll.u32 s0, $0x4  }
0x3: {  	s0 =	stileid.u32;
	s1 =	sand.u32 $0x10, s1  }
0x4: {  	s1 =	sor.u32 s0, s1  }
0x5: {  	s6 =	rddreg [dreg:$0x0];
	s4 =	simm.s32 $0x1;
	s2 =	sshll.u32 s1, $0x7  }
0x6: {  	s7 =	simm.s32 $0x2;
	s12 =	simm.s32 $0x0;
	s1 =	ssub.s32 $0x1000, s2  }
0x7: {  	s8 =	simm.s32 $0x8000;
	s13 =	simm.s32 $0x0;
	s3 =	sand.u32 $0xF80, s1  }
0x8: {  	s9 =	simm.s32 $0x0;
	s5 =	sshrl.u32 s1, $0xC;
	p0 =	sne.s32 s3, $0x0  }
.Ltmp0:
0x9: {  	s1 =	rddreg [dreg:$0x2];
	s4 =	simm.s32 @!p0 $0x0;
	(pc) =	sbr.rel .LBB1_1-.Ltmp0, $4  }
0xa: {  	s11 =	simm.s32 $0x0;
	s3 =	rddreg [dreg:$0x1];
	s5 =	sadd.s32 s4, s5  }
0xb: {  	_ =	strace $0x8000004A;
	s4 =	simm.s32 $0x1;
	s5 =	smul.u32 $0xC8, s5  }
0xc: {  	s6 =	sadd.s32 $0xC00, s6;
	s10 =	smov.u32 s2;
	[sflag:s4] =	ssyncpa.u1 $0x0  }
0xd: {  	p0 =	por $0x0, $0x0;
	[sflag:s7] =	ssyncpa.u1 $0x0;
	s7 =	sor.u32 $0x1, s5  }
.LBB1_4:
0xe: {  	s16 =	sshll.u32 s13, $0x3;
	s17 =	sand.u32 $0x78, s13  }
0xf: {  	s30 =	sand.u32 $0x3E00, s13;
	s12 =	sshll.u32 s12, $0xE;
	s16 =	sand.u32 $0xC00, s16  }
0x10: {  	s31 =	sand.u32 $0x7, s13;
	s16 =	sor.u32 s17, s16;
	s17 =	sadd.s32 s3, s30  }
0x11: {  	s13 =	sshll.u32 s31, $0x12;
	s16 =	sshrl.u32 s16, $0x3;
	s12 =	sadd.s32 s12, s17  }
0x12: {  	[tilespmem:s15+$0x0 ss:$0x81] =	vst.msk $0xffff, v0;
	s13 =	sor.u32 $0x400, s13;
	s12 =	sadd.s32 s16, s12  }
0x13: {  	[hbm4b:s12+s13] =	stream.strided.scatter [tilespmem:s14], [sflag:$0x2], $0x1000, s8, s13, $0x20;
	[tilespmem:$0x4040] =	vst v63  }
.LBB1_5:
0x14: {  	s14 =	sadd.s32 $0x1, s9  }
0x15: {  	s12 =	sadd.s32 $0x1000, s10;
	s16 =	smov.u32 s10;
	p2 =	sgt.s32 s14, $0xC7  }
0x16: {  	s16 =	smov.u32 @p2 s12  }
0x17: {  	s14 =	simm.s32 @p2 $0x0;
	p2 =	sgt.s32 s16, $0xFFF  }
0x18: {  	s16 =	smov.u32 @p2 s2;
	p2 =	sne.s32 s11, s7  }
.Ltmp1:
0x19: {  	p1 =	slt.u32 s11, $0x2;
	(pc) =	sbr.rel @!p2 .LBB1_6-.Ltmp1, $4  }
0x1a: {  	s15 =	simm.s32 @!p1 $0x2  }
0x1b: {  	s13 =	smov.u32 s10;
	p0 =	por !p0, !p0;
	_ =	swait.ge @!p1 [sflag:s15], $0x1000  }
0x1c: {  	s12 =	smov.u32 s9;
	[sflag:s15] =	ssyncset.done @!p1 $0x0;
	s9 =	smov.u32 s14  }
0x1d: {  	s11 =	sadd.s32 $0x1, s11;
	[sflag:s15] =	ssyncadd.s32 @!p1 $0xFFFFF000;
	s10 =	smov.u32 s16  }
.LBB1_1:
0x1e: {  	p1 =	sge.u32 s11, s5  }
0x1f: {  	s14 =	sand.u32 @!p1 $0x1FFFFFF, s9  }
0x20: {  	s15 =	smulhi.u32 @!p1 $0x147AE15, s14;
	_ =	sdelay $0x1  }
0x21: {  	s15 =	smul.u32 @!p1 $0xC8, s15  }
0x22: {  	s16 =	sxor.u32 @!p1 $0xFFFFFFFF, s11;
	s17 =	smul.u32 @!p1 $0xC80, s10  }
0x23: {  	s31 =	sadd.s32 $0xFFFFFFFF, s11;
	s16 =	sshll.u32 @!p1 s16, $0xC;
	s14 =	ssub.s32 @!p1 s14, s15  }
0x24: {  	s15 =	sand.u32 @!p1 $0x1000, s16;
	s16 =	sadd.s32 @!p1 s6, s17;
	s14 =	sshll.u32 @!p1 s14, $0x4  }
0x25: {  	s17 =	simm.s32 @!p1 $0x6400;
	s14 =	sadd.s32 @!p1 s14, s16;
	s16 =	simm.s32 @!p1 $0x20  }
0x26: {  	[tilespmem:s15], [sflag:$0x1] =	stream.strided.gather @!p1 [hbm4b:s14+s16], $0x1000, s17, s16, $0x38;
	[tilespmem:$0x4040] =	vst v63  }
0x27: {  	p1 =	sge.u32 s31, s5  }
.Ltmp2:
0x28: {  	_ = 	snop;
	(pc) =	sbr.rel @p1 .LBB1_5-.Ltmp2, $1  }
0x29: {  	_ =	sdelay $0x3  }
0x2a: {  	s14 =	simm.s32 $0x1  }
0x2b: {  	_ =	swait.ge [sflag:s4], $0x1000;
	s14 =	simm.s32 @!p0 $0x0  }
0x2c: {  	[sflag:s4] =	ssyncset.done $0x0;
	s15 =	sshll.u32 s14, $0xC  }
0x2d: {  	[sflag:s4] =	ssyncadd.s32 $0xFFFFF000;
	s18 =	sor.u32 $0x10, s15  }
0x2e: {  	s14 =	smul.u32 $0x4080, s14;
	v1 =	vld [tilespmem:s18+$0x0]  }
0x2f: {  	s30 =	sand.u32 $0x1, s11;
	v0 =	vld [tilespmem:s18+$0xFFFFFFF0]  }
0x30: {  	s15 =	smul.u32 $0x4080, s30;
	s14 =	sshrl.u32 s14, $0x2  }
0x31: {  	s16 =	sor.u32 $0x2000, s14  }
0x32: {  	s31 =	sshrl.u32 s15, $0x2;
	s15 =	sadd.s32 $0x0, s16  }
0x33: {  	s17 =	simm.s32 $0x4;
	s18 =	sadd.s32 $0x20, s18;
	s14 =	sor.u32 $0x2000, s31;
	[tilespmem:s15+$0x810 ss:$0x81] =	vst.msk $0xffff, v1  }
.LBB1_3:
0x34: {  	v1 =	vld [tilespmem:s18+$0x0];
	p1 =	sne.s32 s17, $0x1FC;
	[tilespmem:s15+$0x0 ss:$0x81] =	vst.msk $0xffff, v0;
	s15 =	smov.u32 s17;
	s17 =	sadd.s32 $0x4, s17  }
.Ltmp3:
0x35: {  	v0 =	vld [tilespmem:s18+$0xFFFFFFF0];
	(pc) =	sbr.rel @p1 .LBB1_3-.Ltmp3, $4  }
0x36: {  	_ = 	snop  }
0x37: {  	s15 =	sshra.s32 s15, $0x2  }
0x38: {  	s15 =	sadd.s32 s15, s16  }
0x39: {  	s18 =	sadd.s32 $0x20, s18;
	[tilespmem:s15+$0x810 ss:$0x81] =	vst.msk $0xffff, v1  }
.Ltmp4:
0x3a: {  	_ = 	snop;
	(pc) =	sbr.rel .LBB1_4-.Ltmp4, $1  }
0x3b: {  	_ =	sdelay $0x3  }
.LBB1_6:
0x3c: {  	_ =	sfence.sel $0x180000  }
0x3d: {  	s2 =	simm.s32 $0x1;
	[bflag:$0x0] =	sbarrier.arrive $0xFFFF  }
0x3e: {  	s31 =	simm.s32 $0x2;
	[sflag:s2] =	ssyncpa.u1 $0x1  }
0x3f: {  	[sflag:s31] =	ssyncpa.u1 $0x1  }
0x40: {  	p0 =	sne.s32 s0, $0x0;
	_ =	strace $0x9000004A  }
0x41: {  	s0 =	sadd.s32 @!p0 $0x100000, s1;
	[bflag:$0x2] =	sbarrier.arrive $0xFFFF  }
0x42: {  	[sflag:s0] =	ssyncadd.tile.s32 @!p0 $0x1;
	_ =	shalt  }
.Lfunc_end1:
_tile_overlayer_lowered:
.L_overlay_start_2:
0x43: {  	(tag) =	ssettag $0x2  }
0x44: {  	s0 =	rddreg [dreg:$0x0];
	s2 =	stileid.u32  }
0x45: {  	s1 =	rddreg [dreg:$0x1];
	p0 =	sne.s32 s2, $0x0  }
0x46: {  	s3 =	rddreg [dreg:$0x2];
	[bflag:$0x3] =	sbarrier.arrive $0xFFFF;
	s2 =	simm.s32 @!p0 $0x1C01  }
0x47: {  	[timem:s3], [sflag:s2] =	dma.local @!p0 [hbm:s0], s1  }
0x48: {  	s0 =	simm.s32 @!p0 $0x1  }
0x49: {  	_ =	swait.ge @!p0 [sflag:s0], s1  }
0x4a: {  	s1 =	ssub.s32 @!p0 $0x0, s1;
	[sflag:s0] =	ssyncset.done @!p0 $0x0  }
0x4b: {  	[sflag:s0] =	ssyncadd.s32 @!p0 s1  }
0x4c: {  	[bflag:$0x3] =	sbarrier.arrive $0xFFFF  }
0x4d: {  	_ =	shalt  }

</sc_bundles>
